<compile_context>
chip_gen: v7x
topology: tpu7x:2x2x1
jax: 0.10.2.dev20260603
libtpu: 0.0.44.dev20260713+nightly
codegen_flags: <defaults>
</compile_context>

<pallas_src>
import functools

import jax
import jax.numpy as jnp
from jax import lax
from jax.experimental import pallas as pl
from jax.experimental.pallas import tpu as pltpu
from jax.experimental.pallas import tpu_sc as plsc

B = 1024
D = 512
H = 256
Z = 128
C = 32
N = 64
K = 8192
BN = B * N

_MB = 256
_RB = 256
_KT = 512

_NC_SC = 2
_NS_SC = 16
_NW = _NC_SC * _NS_SC
_BPW = BN // _NW
_CHUNK = 128
_NCH = _BPW // _CHUNK



def _bdot(a, b):
    return jnp.dot(a, b, preferred_element_type=jnp.float32)


def _encoder_body(x_ref, w1_ref, b1_ref, w2_ref, b2_ref, w3_ref, b3_ref,
                  wp_ref, bp_ref, out_ref):
    h = jnp.maximum(_bdot(x_ref[...], w1_ref[...]) + b1_ref[...], 0.0)
    h = jnp.maximum(_bdot(h, w2_ref[...]) + b2_ref[...], 0.0)
    h = jnp.maximum(_bdot(h, w3_ref[...]) + b3_ref[...], 0.0)
    out_ref[...] = _bdot(h, wp_ref[...]) + bp_ref[...]


def _encoder(x, W1, b1, W2, b2, W3, b3, Wpp, bpp, interpret=False):
    full = lambda *s: pl.BlockSpec(s, lambda i: (0,) * len(s))
    return pl.pallas_call(
        _encoder_body,
        grid=(B // _MB,),
        in_specs=[
            pl.BlockSpec((_MB, D), lambda i: (i, 0)),
            full(D, H), full(1, H),
            full(H, H), full(1, H),
            full(H, Z), full(1, Z),
            full(Z, N * C), full(1, N * C),
        ],
        out_specs=pl.BlockSpec((_MB, N * C), lambda i: (i, 0)),
        out_shape=jax.ShapeDtypeStruct((B, N * C), jnp.float32),
        interpret=interpret,
    )(x, W1, b1.reshape(1, H), W2, b2.reshape(1, H), W3, b3.reshape(1, Z),
      Wpp, bpp.reshape(1, N * C))



_T = K // _KT


def _argmin_body(flat_ref, cbt_ref, idx_ref, bv_ref, bi_ref):
    t = pl.program_id(1)

    @pl.when(t == 0)
    def _init():
        bv_ref[...] = jnp.full((_RB,), jnp.inf, jnp.float32)
        bi_ref[...] = jnp.zeros((_RB,), jnp.int32)

    fb = flat_ref[...]
    cbt = cbt_ref[...]
    cn = jnp.sum(cbt * cbt, axis=0)
    xn = jnp.sum(fb * fb, axis=1)
    s = (xn[:, None] + cn[None, :]) - 2.0 * _bdot(fb, cbt)
    v = jnp.min(s, axis=1)
    iota = lax.broadcasted_iota(jnp.int32, (_RB, _KT), 1)
    i = jnp.min(jnp.where(s == v[:, None], iota, K), axis=1) + t * _KT
    take = v < bv_ref[...]
    bv_ref[...] = jnp.where(take, v, bv_ref[...])
    bi = jnp.where(take, i, bi_ref[...])
    bi_ref[...] = bi

    @pl.when(t == _T - 1)
    def _emit():
        idx_ref[...] = bi


def _vq_argmin(flat, cbT, interpret=False):
    return pl.pallas_call(
        _argmin_body,
        grid=(BN // _RB, _T),
        in_specs=[
            pl.BlockSpec((_RB, C), lambda i, t: (i, 0)),
            pl.BlockSpec((C, _KT), lambda i, t: (0, t)),
        ],
        out_specs=pl.BlockSpec((_RB,), lambda i, t: (i,)),
        out_shape=jax.ShapeDtypeStruct((BN,), jnp.int32),
        scratch_shapes=[
            pltpu.VMEM((_RB,), jnp.float32),
            pltpu.VMEM((_RB,), jnp.int32),
        ],
        compiler_params=pltpu.CompilerParams(
            dimension_semantics=("arbitrary", "arbitrary")),
        interpret=interpret,
    )(flat, cbT)



def _codebook_gather(idx2, codebook):
    mesh = plsc.VectorSubcoreMesh(core_axis_name="c", subcore_axis_name="s")

    @functools.partial(
        pl.kernel,
        mesh=mesh,
        compiler_params=pltpu.CompilerParams(use_tc_tiling_on_sc=False),
        out_type=jax.ShapeDtypeStruct((BN, C), jnp.float32),
        scratch_types=[
            pltpu.VMEM((_NCH, _CHUNK), jnp.int32),
            pltpu.VMEM((_BPW, C), jnp.float32),
            pltpu.SemaphoreType.DMA,
        ],
    )
    def gk(idx_hbm, table_hbm, out_hbm, idx_v, rows_v, sem):
        wid = lax.axis_index("s") * _NC_SC + lax.axis_index("c")
        pltpu.sync_copy(idx_hbm.at[pl.ds(wid * _NCH, _NCH), :], idx_v)
        copies = [
            pltpu.async_copy(table_hbm.at[idx_v.at[j]],
                             rows_v.at[pl.ds(j * _CHUNK, _CHUNK), :], sem)
            for j in range(_NCH)
        ]
        for cp in copies:
            cp.wait()
        pltpu.sync_copy(rows_v, out_hbm.at[pl.ds(wid * _BPW, _BPW), :])

    return gk(idx2, codebook)



def _decoder_body(q_ref, w0_ref, b0_ref, w1_ref, b1_ref, w2_ref, b2_ref,
                  w3_ref, b3_ref, out_ref):
    f32 = jnp.float32
    d0 = jnp.dot(q_ref[...], w0_ref[...], preferred_element_type=f32) + b0_ref[...]
    d1 = jnp.maximum(
        jnp.dot(d0, w1_ref[...], preferred_element_type=f32) + b1_ref[...], 0.0)
    d2 = jnp.maximum(
        jnp.dot(d1, w2_ref[...], preferred_element_type=f32) + b2_ref[...], 0.0)
    out_ref[...] = jnp.dot(d2, w3_ref[...], preferred_element_type=f32) + b3_ref[...]


def _decoder(q, Wd0p, bd0, Wd1, bd1, Wd2, bd2, Wd3, bd3, interpret=False):
    full = lambda *s: pl.BlockSpec(s, lambda i: (0,) * len(s))
    return pl.pallas_call(
        _decoder_body,
        grid=(B // _MB,),
        in_specs=[
            pl.BlockSpec((_MB, N * C), lambda i: (i, 0)),
            full(N * C, Z), full(1, Z),
            full(Z, H), full(1, H),
            full(H, H), full(1, H),
            full(H, D), full(1, D),
        ],
        out_specs=pl.BlockSpec((_MB, D), lambda i: (i, 0)),
        out_shape=jax.ShapeDtypeStruct((B, D), jnp.float32),
        interpret=interpret,
    )(q, Wd0p, bd0.reshape(1, Z), Wd1, bd1.reshape(1, H), Wd2, bd2.reshape(1, H),
      Wd3, bd3.reshape(1, D))



def kernel(x, W1, b1, W2, b2, W3, b3, Wp, bp, codebook,
           Wd0, bd0, Wd1, bd1, Wd2, bd2, Wd3, bd3):
    Wpp = Wp.reshape(Z, C, N).transpose(0, 2, 1).reshape(Z, N * C)
    bpp = bp.reshape(C, N).T.reshape(N * C)
    Wd0p = Wd0.reshape(C, N, Z).transpose(1, 0, 2).reshape(N * C, Z)

    flat = _encoder(x, W1, b1, W2, b2, W3, b3, Wpp, bpp).reshape(BN, C)
    idx = _vq_argmin(flat, codebook.T)
    qflat = _codebook_gather(idx.reshape(BN // _CHUNK, _CHUNK), codebook)
    q = qflat.reshape(B, N * C)
    return _decoder(q, Wd0p, bd0, Wd1, bd1, Wd2, bd2, Wd3, bd3)

# --- scband reference (transcript-rebuilt; emitter-appended) ---
"""Pipeline reference for scband-vqvaemodel-89335319756898 (READ-ONLY COPY).

The authoritative reference and input builder live on the scoring server;
editing this copy changes nothing except your own understanding.
"""

import jax, jax.numpy as jnp
import numpy as np

B = 1024
D = 512
H = 256
Z = 128
C = 32
N = 64
K = 8192


def setup_inputs(seed: int = 0) -> dict:
    key = jax.random.key(seed)
    ks = jax.random.split(key, 12)

    def p(k, shape):
        return jax.random.normal(k, shape, dtype=jnp.float32) * (1.0 / np.sqrt(shape[0]))

    return {
        "x": jax.random.normal(ks[0], (B, D), dtype=jnp.float32),
        "W1": p(ks[1], (D, H)), "b1": jnp.zeros((H,), jnp.float32),
        "W2": p(ks[2], (H, H)), "b2": jnp.zeros((H,), jnp.float32),
        "W3": p(ks[3], (H, Z)), "b3": jnp.zeros((Z,), jnp.float32),
        "Wp": p(ks[4], (Z, C * N)), "bp": jnp.zeros((C * N,), jnp.float32),
        "codebook": jax.random.normal(ks[5], (K, C), dtype=jnp.float32),
        "Wd0": p(ks[6], (C * N, Z)), "bd0": jnp.zeros((Z,), jnp.float32),
        "Wd1": p(ks[7], (Z, H)), "bd1": jnp.zeros((H,), jnp.float32),
        "Wd2": p(ks[8], (H, H)), "bd2": jnp.zeros((H,), jnp.float32),
        "Wd3": p(ks[9], (H, D)), "bd3": jnp.zeros((D,), jnp.float32),
    }


def reference(x, W1, b1, W2, b2, W3, b3, Wp, bp, codebook,
              Wd0, bd0, Wd1, bd1, Wd2, bd2, Wd3, bd3):
    # --- encoder (dense MLP + ReLU, then projection to (B, embedding_dim, n_latents)) ---
    h = jax.nn.relu(x @ W1 + b1)
    h = jax.nn.relu(h @ W2 + b2)
    h = jax.nn.relu(h @ W3 + b3)
    z = (h @ Wp + bp).reshape(x.shape[0], C, N)  # B, C, N

    # --- VectorQuantizerEMA.forward (eval mode; no EMA update) ---
    inputs = jnp.transpose(z, (0, 2, 1))            # B, N, C
    flat_input = inputs.reshape(-1, C)              # (B*N, C)
    distances = (jnp.sum(flat_input ** 2, axis=1, keepdims=True)
                 + jnp.sum(codebook ** 2, axis=1)
                 - 2.0 * flat_input @ codebook.T)   # (B*N, K)
    idx = jnp.argmin(distances, axis=1)
    flat_oh = jax.nn.one_hot(idx, K, dtype=flat_input.dtype)
    quantized = jax.lax.stop_gradient(flat_oh @ codebook).reshape(inputs.shape)

    e_latent_loss = jnp.mean((quantized - inputs) ** 2)
    loss = 0.25 * e_latent_loss

    # straight-through estimator
    quantized_st = inputs + jax.lax.stop_gradient(quantized - inputs)

    avg_probs = jnp.mean(flat_oh, axis=0)
    perplexity = jnp.exp(-jnp.sum(avg_probs * jnp.log(avg_probs + 1e-10)))

    # --- decoder: reshape, linear back to encoder feature dim, dense MLP ---
    q = jnp.transpose(quantized_st, (0, 2, 1)).reshape(x.shape[0], C * N)
    d0 = q @ Wd0 + bd0
    d1 = jax.nn.relu(d0 @ Wd1 + bd1)
    d2 = jax.nn.relu(d1 @ Wd2 + bd2)
    recon = d2 @ Wd3 + bd3
    _ = (loss, perplexity)
    return recon

if __name__ == "__main__":
    import jax
    _d = setup_inputs()
    print(jax.jit(kernel)(*tuple(_d.values())))

</pallas_src>

<mosaic_0001>
#map = affine_map<(d0, d1) -> (0, 0)>
module attributes {stable_mosaic.version = 14 : i64} {
  func.func @gk(%arg0: i32, %arg1: i32, %arg2: memref<512x128xi32, #tpu.memory_space<hbm>>, %arg3: memref<8192x32xf32, #tpu.memory_space<hbm>>, %arg4: memref<65536x32xf32, #tpu.memory_space<hbm>>, %arg5: memref<16x128xi32, #tpu.memory_space<vmem>>, %arg6: memref<2048x32xf32, #tpu.memory_space<vmem>>, %arg7: memref<!tpu.dma_semaphore, #tpu.memory_space<semaphore_mem>>) attributes {dimension_semantics = [#tpu.dimension_semantics<core_parallel>, #tpu.dimension_semantics<subcore_parallel>], iteration_bounds = array<i64: 2, 16>, scalar_prefetch = 0 : i64, scratch_operands = 3 : i64, tpu.core_type = #tpu.core_type<sc_vector_subcore>, window_params = [{transform_indices = #map}, {transform_indices = #map}, {transform_indices = #map}]} {
    %mul3A = arith.constant 2 : i32
    %mul3A_0 = arith.muli %arg1, %mul3A : i32
    %add3A = arith.addi %mul3A_0, %arg0 : i32
    %mul3A_1 = arith.constant 16 : i32
    %mul3A_2 = arith.muli %add3A, %mul3A_1 : i32
    "tpu.region"() ({
      %run_scoped3A = tpu.sem_alloc : memref<!tpu.dma_semaphore, #tpu.memory_space<semaphore_mem>>
      %dma_start3A_323 = arith.constant 0 : i32
      %dma_start3A_324 = tpu.memref_slice %arg2[%mul3A_2, %dma_start3A_323] : memref<512x128xi32, #tpu.memory_space<hbm>> -> memref<16x128xi32, #tpu.memory_space<hbm>>
      %dma_start3A_325 = arith.constant 0 : i32
      %dma_start3A_326 = tpu.memref_slice %arg2[%mul3A_2, %dma_start3A_325] : memref<512x128xi32, #tpu.memory_space<hbm>> -> memref<16x128xi32, #tpu.memory_space<hbm>>
      tpu.enqueue_dma source(%dma_start3A_326 : memref<16x128xi32, #tpu.memory_space<hbm>>) target(%arg5 : memref<16x128xi32, #tpu.memory_space<vmem>>) target_semaphore(%run_scoped3A : memref<!tpu.dma_semaphore, #tpu.memory_space<semaphore_mem>>)
      %dma_wait3A_327 = arith.constant 0 : i32
      %dma_wait3A_328 = tpu.memref_slice %arg2[%mul3A_2, %dma_wait3A_327] : memref<512x128xi32, #tpu.memory_space<hbm>> -> memref<16x128xi32, #tpu.memory_space<hbm>>
      %dma_wait3A_329 = arith.constant 0 : i32
      %dma_wait3A_330 = tpu.memref_slice %arg2[%mul3A_2, %dma_wait3A_329] : memref<512x128xi32, #tpu.memory_space<hbm>> -> memref<16x128xi32, #tpu.memory_space<hbm>>
      tpu.wait_dma2 semaphore(%run_scoped3A : memref<!tpu.dma_semaphore, #tpu.memory_space<semaphore_mem>>) src(%dma_wait3A_330 : memref<16x128xi32, #tpu.memory_space<hbm>>) dst(%arg5 : memref<16x128xi32, #tpu.memory_space<vmem>>)
      tpu.yield
    }) : () -> ()
    %dma_start3A = arith.constant 0 : i32
    %dma_start3A_3 = arith.constant 0 : i32
    %dma_start3A_4 = arith.constant 0 : i32
    %dma_start3A_5 = tpu.memref_slice %arg6[%dma_start3A_3, %dma_start3A_4] : memref<2048x32xf32, #tpu.memory_space<vmem>> -> memref<128x32xf32, #tpu.memory_space<vmem>>
    %dma_start3A_6 = arith.constant 0 : i32
    %dma_start3A_7 = tpu.memref_slice %arg5[%dma_start3A, %dma_start3A_6] : memref<16x128xi32, #tpu.memory_space<vmem>> -> memref<1x128xi32, #tpu.memory_space<vmem>>
    %dma_start3A_8 = tpu.memref_squeeze %dma_start3A_7 : memref<1x128xi32, #tpu.memory_space<vmem>> -> memref<128xi32, #tpu.memory_space<vmem>>
    %dma_start3A_9 = arith.constant 0 : i32
    %dma_start3A_10 = arith.constant 0 : i32
    %dma_start3A_11 = tpu.memref_slice %arg3[%dma_start3A_9, %dma_start3A_10] : memref<8192x32xf32, #tpu.memory_space<hbm>> -> memref<8192x32xf32, #tpu.memory_space<hbm>>
    tpu.enqueue_indirect_dma source(%dma_start3A_11 : memref<8192x32xf32, #tpu.memory_space<hbm>>) target(%dma_start3A_5 : memref<128x32xf32, #tpu.memory_space<vmem>>) offsets(%dma_start3A_8 : memref<128xi32, #tpu.memory_space<vmem>>) semaphore(%arg7 : memref<!tpu.dma_semaphore, #tpu.memory_space<semaphore_mem>>)
    %dma_start3A_12 = arith.constant 1 : i32
    %dma_start3A_13 = arith.constant 128 : i32
    %dma_start3A_14 = arith.constant 0 : i32
    %dma_start3A_15 = tpu.memref_slice %arg6[%dma_start3A_13, %dma_start3A_14] : memref<2048x32xf32, #tpu.memory_space<vmem>> -> memref<128x32xf32, #tpu.memory_space<vmem>>
    %dma_start3A_16 = arith.constant 0 : i32
    %dma_start3A_17 = tpu.memref_slice %arg5[%dma_start3A_12, %dma_start3A_16] : memref<16x128xi32, #tpu.memory_space<vmem>> -> memref<1x128xi32, #tpu.memory_space<vmem>>
    %dma_start3A_18 = tpu.memref_squeeze %dma_start3A_17 : memref<1x128xi32, #tpu.memory_space<vmem>> -> memref<128xi32, #tpu.memory_space<vmem>>
    %dma_start3A_19 = arith.constant 0 : i32
    %dma_start3A_20 = arith.constant 0 : i32
    %dma_start3A_21 = tpu.memref_slice %arg3[%dma_start3A_19, %dma_start3A_20] : memref<8192x32xf32, #tpu.memory_space<hbm>> -> memref<8192x32xf32, #tpu.memory_space<hbm>>
    tpu.enqueue_indirect_dma source(%dma_start3A_21 : memref<8192x32xf32, #tpu.memory_space<hbm>>) target(%dma_start3A_15 : memref<128x32xf32, #tpu.memory_space<vmem>>) offsets(%dma_start3A_18 : memref<128xi32, #tpu.memory_space<vmem>>) semaphore(%arg7 : memref<!tpu.dma_semaphore, #tpu.memory_space<semaphore_mem>>)
    %dma_start3A_22 = arith.constant 2 : i32
    %dma_start3A_23 = arith.constant 256 : i32
    %dma_start3A_24 = arith.constant 0 : i32
    %dma_start3A_25 = tpu.memref_slice %arg6[%dma_start3A_23, %dma_start3A_24] : memref<2048x32xf32, #tpu.memory_space<vmem>> -> memref<128x32xf32, #tpu.memory_space<vmem>>
    %dma_start3A_26 = arith.constant 0 : i32
    %dma_start3A_27 = tpu.memref_slice %arg5[%dma_start3A_22, %dma_start3A_26] : memref<16x128xi32, #tpu.memory_space<vmem>> -> memref<1x128xi32, #tpu.memory_space<vmem>>
    %dma_start3A_28 = tpu.memref_squeeze %dma_start3A_27 : memref<1x128xi32, #tpu.memory_space<vmem>> -> memref<128xi32, #tpu.memory_space<vmem>>
    %dma_start3A_29 = arith.constant 0 : i32
    %dma_start3A_30 = arith.constant 0 : i32
    %dma_start3A_31 = tpu.memref_slice %arg3[%dma_start3A_29, %dma_start3A_30] : memref<8192x32xf32, #tpu.memory_space<hbm>> -> memref<8192x32xf32, #tpu.memory_space<hbm>>
    tpu.enqueue_indirect_dma source(%dma_start3A_31 : memref<8192x32xf32, #tpu.memory_space<hbm>>) target(%dma_start3A_25 : memref<128x32xf32, #tpu.memory_space<vmem>>) offsets(%dma_start3A_28 : memref<128xi32, #tpu.memory_space<vmem>>) semaphore(%arg7 : memref<!tpu.dma_semaphore, #tpu.memory_space<semaphore_mem>>)
    %dma_start3A_32 = arith.constant 3 : i32
    %dma_start3A_33 = arith.constant 384 : i32
    %dma_start3A_34 = arith.constant 0 : i32
    %dma_start3A_35 = tpu.memref_slice %arg6[%dma_start3A_33, %dma_start3A_34] : memref<2048x32xf32, #tpu.memory_space<vmem>> -> memref<128x32xf32, #tpu.memory_space<vmem>>
    %dma_start3A_36 = arith.constant 0 : i32
    %dma_start3A_37 = tpu.memref_slice %arg5[%dma_start3A_32, %dma_start3A_36] : memref<16x128xi32, #tpu.memory_space<vmem>> -> memref<1x128xi32, #tpu.memory_space<vmem>>
    %dma_start3A_38 = tpu.memref_squeeze %dma_start3A_37 : memref<1x128xi32, #tpu.memory_space<vmem>> -> memref<128xi32, #tpu.memory_space<vmem>>
    %dma_start3A_39 = arith.constant 0 : i32
    %dma_start3A_40 = arith.constant 0 : i32
    %dma_start3A_41 = tpu.memref_slice %arg3[%dma_start3A_39, %dma_start3A_40] : memref<8192x32xf32, #tpu.memory_space<hbm>> -> memref<8192x32xf32, #tpu.memory_space<hbm>>
    tpu.enqueue_indirect_dma source(%dma_start3A_41 : memref<8192x32xf32, #tpu.memory_space<hbm>>) target(%dma_start3A_35 : memref<128x32xf32, #tpu.memory_space<vmem>>) offsets(%dma_start3A_38 : memref<128xi32, #tpu.memory_space<vmem>>) semaphore(%arg7 : memref<!tpu.dma_semaphore, #tpu.memory_space<semaphore_mem>>)
    %dma_start3A_42 = arith.constant 4 : i32
    %dma_start3A_43 = arith.constant 512 : i32
    %dma_start3A_44 = arith.constant 0 : i32
    %dma_start3A_45 = tpu.memref_slice %arg6[%dma_start3A_43, %dma_start3A_44] : memref<2048x32xf32, #tpu.memory_space<vmem>> -> memref<128x32xf32, #tpu.memory_space<vmem>>
    %dma_start3A_46 = arith.constant 0 : i32
    %dma_start3A_47 = tpu.memref_slice %arg5[%dma_start3A_42, %dma_start3A_46] : memref<16x128xi32, #tpu.memory_space<vmem>> -> memref<1x128xi32, #tpu.memory_space<vmem>>
    %dma_start3A_48 = tpu.memref_squeeze %dma_start3A_47 : memref<1x128xi32, #tpu.memory_space<vmem>> -> memref<128xi32, #tpu.memory_space<vmem>>
    %dma_start3A_49 = arith.constant 0 : i32
    %dma_start3A_50 = arith.constant 0 : i32
    %dma_start3A_51 = tpu.memref_slice %arg3[%dma_start3A_49, %dma_start3A_50] : memref<8192x32xf32, #tpu.memory_space<hbm>> -> memref<8192x32xf32, #tpu.memory_space<hbm>>
    tpu.enqueue_indirect_dma source(%dma_start3A_51 : memref<8192x32xf32, #tpu.memory_space<hbm>>) target(%dma_start3A_45 : memref<128x32xf32, #tpu.memory_space<vmem>>) offsets(%dma_start3A_48 : memref<128xi32, #tpu.memory_space<vmem>>) semaphore(%arg7 : memref<!tpu.dma_semaphore, #tpu.memory_space<semaphore_mem>>)
    %dma_start3A_52 = arith.constant 5 : i32
    %dma_start3A_53 = arith.constant 640 : i32
    %dma_start3A_54 = arith.constant 0 : i32
    %dma_start3A_55 = tpu.memref_slice %arg6[%dma_start3A_53, %dma_start3A_54] : memref<2048x32xf32, #tpu.memory_space<vmem>> -> memref<128x32xf32, #tpu.memory_space<vmem>>
    %dma_start3A_56 = arith.constant 0 : i32
    %dma_start3A_57 = tpu.memref_slice %arg5[%dma_start3A_52, %dma_start3A_56] : memref<16x128xi32, #tpu.memory_space<vmem>> -> memref<1x128xi32, #tpu.memory_space<vmem>>
    %dma_start3A_58 = tpu.memref_squeeze %dma_start3A_57 : memref<1x128xi32, #tpu.memory_space<vmem>> -> memref<128xi32, #tpu.memory_space<vmem>>
    %dma_start3A_59 = arith.constant 0 : i32
    %dma_start3A_60 = arith.constant 0 : i32
    %dma_start3A_61 = tpu.memref_slice %arg3[%dma_start3A_59, %dma_start3A_60] : memref<8192x32xf32, #tpu.memory_space<hbm>> -> memref<8192x32xf32, #tpu.memory_space<hbm>>
    tpu.enqueue_indirect_dma source(%dma_start3A_61 : memref<8192x32xf32, #tpu.memory_space<hbm>>) target(%dma_start3A_55 : memref<128x32xf32, #tpu.memory_space<vmem>>) offsets(%dma_start3A_58 : memref<128xi32, #tpu.memory_space<vmem>>) semaphore(%arg7 : memref<!tpu.dma_semaphore, #tpu.memory_space<semaphore_mem>>)
    %dma_start3A_62 = arith.constant 6 : i32
    %dma_start3A_63 = arith.constant 768 : i32
    %dma_start3A_64 = arith.constant 0 : i32
    %dma_start3A_65 = tpu.memref_slice %arg6[%dma_start3A_63, %dma_start3A_64] : memref<2048x32xf32, #tpu.memory_space<vmem>> -> memref<128x32xf32, #tpu.memory_space<vmem>>
    %dma_start3A_66 = arith.constant 0 : i32
    %dma_start3A_67 = tpu.memref_slice %arg5[%dma_start3A_62, %dma_start3A_66] : memref<16x128xi32, #tpu.memory_space<vmem>> -> memref<1x128xi32, #tpu.memory_space<vmem>>
    %dma_start3A_68 = tpu.memref_squeeze %dma_start3A_67 : memref<1x128xi32, #tpu.memory_space<vmem>> -> memref<128xi32, #tpu.memory_space<vmem>>
    %dma_start3A_69 = arith.constant 0 : i32
    %dma_start3A_70 = arith.constant 0 : i32
    %dma_start3A_71 = tpu.memref_slice %arg3[%dma_start3A_69, %dma_start3A_70] : memref<8192x32xf32, #tpu.memory_space<hbm>> -> memref<8192x32xf32, #tpu.memory_space<hbm>>
    tpu.enqueue_indirect_dma source(%dma_start3A_71 : memref<8192x32xf32, #tpu.memory_space<hbm>>) target(%dma_start3A_65 : memref<128x32xf32, #tpu.memory_space<vmem>>) offsets(%dma_start3A_68 : memref<128xi32, #tpu.memory_space<vmem>>) semaphore(%arg7 : memref<!tpu.dma_semaphore, #tpu.memory_space<semaphore_mem>>)
    %dma_start3A_72 = arith.constant 7 : i32
    %dma_start3A_73 = arith.constant 896 : i32
    %dma_start3A_74 = arith.constant 0 : i32
    %dma_start3A_75 = tpu.memref_slice %arg6[%dma_start3A_73, %dma_start3A_74] : memref<2048x32xf32, #tpu.memory_space<vmem>> -> memref<128x32xf32, #tpu.memory_space<vmem>>
    %dma_start3A_76 = arith.constant 0 : i32
    %dma_start3A_77 = tpu.memref_slice %arg5[%dma_start3A_72, %dma_start3A_76] : memref<16x128xi32, #tpu.memory_space<vmem>> -> memref<1x128xi32, #tpu.memory_space<vmem>>
    %dma_start3A_78 = tpu.memref_squeeze %dma_start3A_77 : memref<1x128xi32, #tpu.memory_space<vmem>> -> memref<128xi32, #tpu.memory_space<vmem>>
    %dma_start3A_79 = arith.constant 0 : i32
    %dma_start3A_80 = arith.constant 0 : i32
    %dma_start3A_81 = tpu.memref_slice %arg3[%dma_start3A_79, %dma_start3A_80] : memref<8192x32xf32, #tpu.memory_space<hbm>> -> memref<8192x32xf32, #tpu.memory_space<hbm>>
    tpu.enqueue_indirect_dma source(%dma_start3A_81 : memref<8192x32xf32, #tpu.memory_space<hbm>>) target(%dma_start3A_75 : memref<128x32xf32, #tpu.memory_space<vmem>>) offsets(%dma_start3A_78 : memref<128xi32, #tpu.memory_space<vmem>>) semaphore(%arg7 : memref<!tpu.dma_semaphore, #tpu.memory_space<semaphore_mem>>)
    %dma_start3A_82 = arith.constant 8 : i32
    %dma_start3A_83 = arith.constant 1024 : i32
    %dma_start3A_84 = arith.constant 0 : i32
    %dma_start3A_85 = tpu.memref_slice %arg6[%dma_start3A_83, %dma_start3A_84] : memref<2048x32xf32, #tpu.memory_space<vmem>> -> memref<128x32xf32, #tpu.memory_space<vmem>>
    %dma_start3A_86 = arith.constant 0 : i32
    %dma_start3A_87 = tpu.memref_slice %arg5[%dma_start3A_82, %dma_start3A_86] : memref<16x128xi32, #tpu.memory_space<vmem>> -> memref<1x128xi32, #tpu.memory_space<vmem>>
    %dma_start3A_88 = tpu.memref_squeeze %dma_start3A_87 : memref<1x128xi32, #tpu.memory_space<vmem>> -> memref<128xi32, #tpu.memory_space<vmem>>
    %dma_start3A_89 = arith.constant 0 : i32
    %dma_start3A_90 = arith.constant 0 : i32
    %dma_start3A_91 = tpu.memref_slice %arg3[%dma_start3A_89, %dma_start3A_90] : memref<8192x32xf32, #tpu.memory_space<hbm>> -> memref<8192x32xf32, #tpu.memory_space<hbm>>
    tpu.enqueue_indirect_dma source(%dma_start3A_91 : memref<8192x32xf32, #tpu.memory_space<hbm>>) target(%dma_start3A_85 : memref<128x32xf32, #tpu.memory_space<vmem>>) offsets(%dma_start3A_88 : memref<128xi32, #tpu.memory_space<vmem>>) semaphore(%arg7 : memref<!tpu.dma_semaphore, #tpu.memory_space<semaphore_mem>>)
    %dma_start3A_92 = arith.constant 9 : i32
    %dma_start3A_93 = arith.constant 1152 : i32
    %dma_start3A_94 = arith.constant 0 : i32
    %dma_start3A_95 = tpu.memref_slice %arg6[%dma_start3A_93, %dma_start3A_94] : memref<2048x32xf32, #tpu.memory_space<vmem>> -> memref<128x32xf32, #tpu.memory_space<vmem>>
    %dma_start3A_96 = arith.constant 0 : i32
    %dma_start3A_97 = tpu.memref_slice %arg5[%dma_start3A_92, %dma_start3A_96] : memref<16x128xi32, #tpu.memory_space<vmem>> -> memref<1x128xi32, #tpu.memory_space<vmem>>
    %dma_start3A_98 = tpu.memref_squeeze %dma_start3A_97 : memref<1x128xi32, #tpu.memory_space<vmem>> -> memref<128xi32, #tpu.memory_space<vmem>>
    %dma_start3A_99 = arith.constant 0 : i32
    %dma_start3A_100 = arith.constant 0 : i32
    %dma_start3A_101 = tpu.memref_slice %arg3[%dma_start3A_99, %dma_start3A_100] : memref<8192x32xf32, #tpu.memory_space<hbm>> -> memref<8192x32xf32, #tpu.memory_space<hbm>>
    tpu.enqueue_indirect_dma source(%dma_start3A_101 : memref<8192x32xf32, #tpu.memory_space<hbm>>) target(%dma_start3A_95 : memref<128x32xf32, #tpu.memory_space<vmem>>) offsets(%dma_start3A_98 : memref<128xi32, #tpu.memory_space<vmem>>) semaphore(%arg7 : memref<!tpu.dma_semaphore, #tpu.memory_space<semaphore_mem>>)
    %dma_start3A_102 = arith.constant 10 : i32
    %dma_start3A_103 = arith.constant 1280 : i32
    %dma_start3A_104 = arith.constant 0 : i32
    %dma_start3A_105 = tpu.memref_slice %arg6[%dma_start3A_103, %dma_start3A_104] : memref<2048x32xf32, #tpu.memory_space<vmem>> -> memref<128x32xf32, #tpu.memory_space<vmem>>
    %dma_start3A_106 = arith.constant 0 : i32
    %dma_start3A_107 = tpu.memref_slice %arg5[%dma_start3A_102, %dma_start3A_106] : memref<16x128xi32, #tpu.memory_space<vmem>> -> memref<1x128xi32, #tpu.memory_space<vmem>>
    %dma_start3A_108 = tpu.memref_squeeze %dma_start3A_107 : memref<1x128xi32, #tpu.memory_space<vmem>> -> memref<128xi32, #tpu.memory_space<vmem>>
    %dma_start3A_109 = arith.constant 0 : i32
    %dma_start3A_110 = arith.constant 0 : i32
    %dma_start3A_111 = tpu.memref_slice %arg3[%dma_start3A_109, %dma_start3A_110] : memref<8192x32xf32, #tpu.memory_space<hbm>> -> memref<8192x32xf32, #tpu.memory_space<hbm>>
    tpu.enqueue_indirect_dma source(%dma_start3A_111 : memref<8192x32xf32, #tpu.memory_space<hbm>>) target(%dma_start3A_105 : memref<128x32xf32, #tpu.memory_space<vmem>>) offsets(%dma_start3A_108 : memref<128xi32, #tpu.memory_space<vmem>>) semaphore(%arg7 : memref<!tpu.dma_semaphore, #tpu.memory_space<semaphore_mem>>)
    %dma_start3A_112 = arith.constant 11 : i32
    %dma_start3A_113 = arith.constant 1408 : i32
    %dma_start3A_114 = arith.constant 0 : i32
    %dma_start3A_115 = tpu.memref_slice %arg6[%dma_start3A_113, %dma_start3A_114] : memref<2048x32xf32, #tpu.memory_space<vmem>> -> memref<128x32xf32, #tpu.memory_space<vmem>>
    %dma_start3A_116 = arith.constant 0 : i32
    %dma_start3A_117 = tpu.memref_slice %arg5[%dma_start3A_112, %dma_start3A_116] : memref<16x128xi32, #tpu.memory_space<vmem>> -> memref<1x128xi32, #tpu.memory_space<vmem>>
    %dma_start3A_118 = tpu.memref_squeeze %dma_start3A_117 : memref<1x128xi32, #tpu.memory_space<vmem>> -> memref<128xi32, #tpu.memory_space<vmem>>
    %dma_start3A_119 = arith.constant 0 : i32
    %dma_start3A_120 = arith.constant 0 : i32
    %dma_start3A_121 = tpu.memref_slice %arg3[%dma_start3A_119, %dma_start3A_120] : memref<8192x32xf32, #tpu.memory_space<hbm>> -> memref<8192x32xf32, #tpu.memory_space<hbm>>
    tpu.enqueue_indirect_dma source(%dma_start3A_121 : memref<8192x32xf32, #tpu.memory_space<hbm>>) target(%dma_start3A_115 : memref<128x32xf32, #tpu.memory_space<vmem>>) offsets(%dma_start3A_118 : memref<128xi32, #tpu.memory_space<vmem>>) semaphore(%arg7 : memref<!tpu.dma_semaphore, #tpu.memory_space<semaphore_mem>>)
    %dma_start3A_122 = arith.constant 12 : i32
    %dma_start3A_123 = arith.constant 1536 : i32
    %dma_start3A_124 = arith.constant 0 : i32
    %dma_start3A_125 = tpu.memref_slice %arg6[%dma_start3A_123, %dma_start3A_124] : memref<2048x32xf32, #tpu.memory_space<vmem>> -> memref<128x32xf32, #tpu.memory_space<vmem>>
    %dma_start3A_126 = arith.constant 0 : i32
    %dma_start3A_127 = tpu.memref_slice %arg5[%dma_start3A_122, %dma_start3A_126] : memref<16x128xi32, #tpu.memory_space<vmem>> -> memref<1x128xi32, #tpu.memory_space<vmem>>
    %dma_start3A_128 = tpu.memref_squeeze %dma_start3A_127 : memref<1x128xi32, #tpu.memory_space<vmem>> -> memref<128xi32, #tpu.memory_space<vmem>>
    %dma_start3A_129 = arith.constant 0 : i32
    %dma_start3A_130 = arith.constant 0 : i32
    %dma_start3A_131 = tpu.memref_slice %arg3[%dma_start3A_129, %dma_start3A_130] : memref<8192x32xf32, #tpu.memory_space<hbm>> -> memref<8192x32xf32, #tpu.memory_space<hbm>>
    tpu.enqueue_indirect_dma source(%dma_start3A_131 : memref<8192x32xf32, #tpu.memory_space<hbm>>) target(%dma_start3A_125 : memref<128x32xf32, #tpu.memory_space<vmem>>) offsets(%dma_start3A_128 : memref<128xi32, #tpu.memory_space<vmem>>) semaphore(%arg7 : memref<!tpu.dma_semaphore, #tpu.memory_space<semaphore_mem>>)
    %dma_start3A_132 = arith.constant 13 : i32
    %dma_start3A_133 = arith.constant 1664 : i32
    %dma_start3A_134 = arith.constant 0 : i32
    %dma_start3A_135 = tpu.memref_slice %arg6[%dma_start3A_133, %dma_start3A_134] : memref<2048x32xf32, #tpu.memory_space<vmem>> -> memref<128x32xf32, #tpu.memory_space<vmem>>
    %dma_start3A_136 = arith.constant 0 : i32
    %dma_start3A_137 = tpu.memref_slice %arg5[%dma_start3A_132, %dma_start3A_136] : memref<16x128xi32, #tpu.memory_space<vmem>> -> memref<1x128xi32, #tpu.memory_space<vmem>>
    %dma_start3A_138 = tpu.memref_squeeze %dma_start3A_137 : memref<1x128xi32, #tpu.memory_space<vmem>> -> memref<128xi32, #tpu.memory_space<vmem>>
    %dma_start3A_139 = arith.constant 0 : i32
    %dma_start3A_140 = arith.constant 0 : i32
    %dma_start3A_141 = tpu.memref_slice %arg3[%dma_start3A_139, %dma_start3A_140] : memref<8192x32xf32, #tpu.memory_space<hbm>> -> memref<8192x32xf32, #tpu.memory_space<hbm>>
    tpu.enqueue_indirect_dma source(%dma_start3A_141 : memref<8192x32xf32, #tpu.memory_space<hbm>>) target(%dma_start3A_135 : memref<128x32xf32, #tpu.memory_space<vmem>>) offsets(%dma_start3A_138 : memref<128xi32, #tpu.memory_space<vmem>>) semaphore(%arg7 : memref<!tpu.dma_semaphore, #tpu.memory_space<semaphore_mem>>)
    %dma_start3A_142 = arith.constant 14 : i32
    %dma_start3A_143 = arith.constant 1792 : i32
    %dma_start3A_144 = arith.constant 0 : i32
    %dma_start3A_145 = tpu.memref_slice %arg6[%dma_start3A_143, %dma_start3A_144] : memref<2048x32xf32, #tpu.memory_space<vmem>> -> memref<128x32xf32, #tpu.memory_space<vmem>>
    %dma_start3A_146 = arith.constant 0 : i32
    %dma_start3A_147 = tpu.memref_slice %arg5[%dma_start3A_142, %dma_start3A_146] : memref<16x128xi32, #tpu.memory_space<vmem>> -> memref<1x128xi32, #tpu.memory_space<vmem>>
    %dma_start3A_148 = tpu.memref_squeeze %dma_start3A_147 : memref<1x128xi32, #tpu.memory_space<vmem>> -> memref<128xi32, #tpu.memory_space<vmem>>
    %dma_start3A_149 = arith.constant 0 : i32
    %dma_start3A_150 = arith.constant 0 : i32
    %dma_start3A_151 = tpu.memref_slice %arg3[%dma_start3A_149, %dma_start3A_150] : memref<8192x32xf32, #tpu.memory_space<hbm>> -> memref<8192x32xf32, #tpu.memory_space<hbm>>
    tpu.enqueue_indirect_dma source(%dma_start3A_151 : memref<8192x32xf32, #tpu.memory_space<hbm>>) target(%dma_start3A_145 : memref<128x32xf32, #tpu.memory_space<vmem>>) offsets(%dma_start3A_148 : memref<128xi32, #tpu.memory_space<vmem>>) semaphore(%arg7 : memref<!tpu.dma_semaphore, #tpu.memory_space<semaphore_mem>>)
    %dma_start3A_152 = arith.constant 15 : i32
    %dma_start3A_153 = arith.constant 1920 : i32
    %dma_start3A_154 = arith.constant 0 : i32
    %dma_start3A_155 = tpu.memref_slice %arg6[%dma_start3A_153, %dma_start3A_154] : memref<2048x32xf32, #tpu.memory_space<vmem>> -> memref<128x32xf32, #tpu.memory_space<vmem>>
    %dma_start3A_156 = arith.constant 0 : i32
    %dma_start3A_157 = tpu.memref_slice %arg5[%dma_start3A_152, %dma_start3A_156] : memref<16x128xi32, #tpu.memory_space<vmem>> -> memref<1x128xi32, #tpu.memory_space<vmem>>
    %dma_start3A_158 = tpu.memref_squeeze %dma_start3A_157 : memref<1x128xi32, #tpu.memory_space<vmem>> -> memref<128xi32, #tpu.memory_space<vmem>>
    %dma_start3A_159 = arith.constant 0 : i32
    %dma_start3A_160 = arith.constant 0 : i32
    %dma_start3A_161 = tpu.memref_slice %arg3[%dma_start3A_159, %dma_start3A_160] : memref<8192x32xf32, #tpu.memory_space<hbm>> -> memref<8192x32xf32, #tpu.memory_space<hbm>>
    tpu.enqueue_indirect_dma source(%dma_start3A_161 : memref<8192x32xf32, #tpu.memory_space<hbm>>) target(%dma_start3A_155 : memref<128x32xf32, #tpu.memory_space<vmem>>) offsets(%dma_start3A_158 : memref<128xi32, #tpu.memory_space<vmem>>) semaphore(%arg7 : memref<!tpu.dma_semaphore, #tpu.memory_space<semaphore_mem>>)
    %dma_wait3A = arith.constant 0 : i32
    %dma_wait3A_162 = arith.constant 0 : i32
    %dma_wait3A_163 = arith.constant 0 : i32
    %dma_wait3A_164 = tpu.memref_slice %arg6[%dma_wait3A_162, %dma_wait3A_163] : memref<2048x32xf32, #tpu.memory_space<vmem>> -> memref<128x32xf32, #tpu.memory_space<vmem>>
    %dma_wait3A_165 = arith.constant 0 : i32
    %dma_wait3A_166 = tpu.memref_slice %arg5[%dma_wait3A, %dma_wait3A_165] : memref<16x128xi32, #tpu.memory_space<vmem>> -> memref<1x128xi32, #tpu.memory_space<vmem>>
    %dma_wait3A_167 = tpu.memref_squeeze %dma_wait3A_166 : memref<1x128xi32, #tpu.memory_space<vmem>> -> memref<128xi32, #tpu.memory_space<vmem>>
    %dma_wait3A_168 = arith.constant 0 : i32
    %dma_wait3A_169 = arith.constant 0 : i32
    %dma_wait3A_170 = tpu.memref_slice %arg3[%dma_wait3A_168, %dma_wait3A_169] : memref<8192x32xf32, #tpu.memory_space<hbm>> -> memref<8192x32xf32, #tpu.memory_space<hbm>>
    tpu.wait_indirect_dma semaphore(%arg7 : memref<!tpu.dma_semaphore, #tpu.memory_space<semaphore_mem>>) src(%dma_wait3A_170 : memref<8192x32xf32, #tpu.memory_space<hbm>>) dst(%dma_wait3A_164 : memref<128x32xf32, #tpu.memory_space<vmem>>)
    %dma_wait3A_171 = arith.constant 1 : i32
    %dma_wait3A_172 = arith.constant 128 : i32
    %dma_wait3A_173 = arith.constant 0 : i32
    %dma_wait3A_174 = tpu.memref_slice %arg6[%dma_wait3A_172, %dma_wait3A_173] : memref<2048x32xf32, #tpu.memory_space<vmem>> -> memref<128x32xf32, #tpu.memory_space<vmem>>
    %dma_wait3A_175 = arith.constant 0 : i32
    %dma_wait3A_176 = tpu.memref_slice %arg5[%dma_wait3A_171, %dma_wait3A_175] : memref<16x128xi32, #tpu.memory_space<vmem>> -> memref<1x128xi32, #tpu.memory_space<vmem>>
    %dma_wait3A_177 = tpu.memref_squeeze %dma_wait3A_176 : memref<1x128xi32, #tpu.memory_space<vmem>> -> memref<128xi32, #tpu.memory_space<vmem>>
    %dma_wait3A_178 = arith.constant 0 : i32
    %dma_wait3A_179 = arith.constant 0 : i32
    %dma_wait3A_180 = tpu.memref_slice %arg3[%dma_wait3A_178, %dma_wait3A_179] : memref<8192x32xf32, #tpu.memory_space<hbm>> -> memref<8192x32xf32, #tpu.memory_space<hbm>>
    tpu.wait_indirect_dma semaphore(%arg7 : memref<!tpu.dma_semaphore, #tpu.memory_space<semaphore_mem>>) src(%dma_wait3A_180 : memref<8192x32xf32, #tpu.memory_space<hbm>>) dst(%dma_wait3A_174 : memref<128x32xf32, #tpu.memory_space<vmem>>)
    %dma_wait3A_181 = arith.constant 2 : i32
    %dma_wait3A_182 = arith.constant 256 : i32
    %dma_wait3A_183 = arith.constant 0 : i32
    %dma_wait3A_184 = tpu.memref_slice %arg6[%dma_wait3A_182, %dma_wait3A_183] : memref<2048x32xf32, #tpu.memory_space<vmem>> -> memref<128x32xf32, #tpu.memory_space<vmem>>
    %dma_wait3A_185 = arith.constant 0 : i32
    %dma_wait3A_186 = tpu.memref_slice %arg5[%dma_wait3A_181, %dma_wait3A_185] : memref<16x128xi32, #tpu.memory_space<vmem>> -> memref<1x128xi32, #tpu.memory_space<vmem>>
    %dma_wait3A_187 = tpu.memref_squeeze %dma_wait3A_186 : memref<1x128xi32, #tpu.memory_space<vmem>> -> memref<128xi32, #tpu.memory_space<vmem>>
    %dma_wait3A_188 = arith.constant 0 : i32
    %dma_wait3A_189 = arith.constant 0 : i32
    %dma_wait3A_190 = tpu.memref_slice %arg3[%dma_wait3A_188, %dma_wait3A_189] : memref<8192x32xf32, #tpu.memory_space<hbm>> -> memref<8192x32xf32, #tpu.memory_space<hbm>>
    tpu.wait_indirect_dma semaphore(%arg7 : memref<!tpu.dma_semaphore, #tpu.memory_space<semaphore_mem>>) src(%dma_wait3A_190 : memref<8192x32xf32, #tpu.memory_space<hbm>>) dst(%dma_wait3A_184 : memref<128x32xf32, #tpu.memory_space<vmem>>)
    %dma_wait3A_191 = arith.constant 3 : i32
    %dma_wait3A_192 = arith.constant 384 : i32
    %dma_wait3A_193 = arith.constant 0 : i32
    %dma_wait3A_194 = tpu.memref_slice %arg6[%dma_wait3A_192, %dma_wait3A_193] : memref<2048x32xf32, #tpu.memory_space<vmem>> -> memref<128x32xf32, #tpu.memory_space<vmem>>
    %dma_wait3A_195 = arith.constant 0 : i32
    %dma_wait3A_196 = tpu.memref_slice %arg5[%dma_wait3A_191, %dma_wait3A_195] : memref<16x128xi32, #tpu.memory_space<vmem>> -> memref<1x128xi32, #tpu.memory_space<vmem>>
    %dma_wait3A_197 = tpu.memref_squeeze %dma_wait3A_196 : memref<1x128xi32, #tpu.memory_space<vmem>> -> memref<128xi32, #tpu.memory_space<vmem>>
    %dma_wait3A_198 = arith.constant 0 : i32
    %dma_wait3A_199 = arith.constant 0 : i32
    %dma_wait3A_200 = tpu.memref_slice %arg3[%dma_wait3A_198, %dma_wait3A_199] : memref<8192x32xf32, #tpu.memory_space<hbm>> -> memref<8192x32xf32, #tpu.memory_space<hbm>>
    tpu.wait_indirect_dma semaphore(%arg7 : memref<!tpu.dma_semaphore, #tpu.memory_space<semaphore_mem>>) src(%dma_wait3A_200 : memref<8192x32xf32, #tpu.memory_space<hbm>>) dst(%dma_wait3A_194 : memref<128x32xf32, #tpu.memory_space<vmem>>)
    %dma_wait3A_201 = arith.constant 4 : i32
    %dma_wait3A_202 = arith.constant 512 : i32
    %dma_wait3A_203 = arith.constant 0 : i32
    %dma_wait3A_204 = tpu.memref_slice %arg6[%dma_wait3A_202, %dma_wait3A_203] : memref<2048x32xf32, #tpu.memory_space<vmem>> -> memref<128x32xf32, #tpu.memory_space<vmem>>
    %dma_wait3A_205 = arith.constant 0 : i32
    %dma_wait3A_206 = tpu.memref_slice %arg5[%dma_wait3A_201, %dma_wait3A_205] : memref<16x128xi32, #tpu.memory_space<vmem>> -> memref<1x128xi32, #tpu.memory_space<vmem>>
    %dma_wait3A_207 = tpu.memref_squeeze %dma_wait3A_206 : memref<1x128xi32, #tpu.memory_space<vmem>> -> memref<128xi32, #tpu.memory_space<vmem>>
    %dma_wait3A_208 = arith.constant 0 : i32
    %dma_wait3A_209 = arith.constant 0 : i32
    %dma_wait3A_210 = tpu.memref_slice %arg3[%dma_wait3A_208, %dma_wait3A_209] : memref<8192x32xf32, #tpu.memory_space<hbm>> -> memref<8192x32xf32, #tpu.memory_space<hbm>>
    tpu.wait_indirect_dma semaphore(%arg7 : memref<!tpu.dma_semaphore, #tpu.memory_space<semaphore_mem>>) src(%dma_wait3A_210 : memref<8192x32xf32, #tpu.memory_space<hbm>>) dst(%dma_wait3A_204 : memref<128x32xf32, #tpu.memory_space<vmem>>)
    %dma_wait3A_211 = arith.constant 5 : i32
    %dma_wait3A_212 = arith.constant 640 : i32
    %dma_wait3A_213 = arith.constant 0 : i32
    %dma_wait3A_214 = tpu.memref_slice %arg6[%dma_wait3A_212, %dma_wait3A_213] : memref<2048x32xf32, #tpu.memory_space<vmem>> -> memref<128x32xf32, #tpu.memory_space<vmem>>
    %dma_wait3A_215 = arith.constant 0 : i32
    %dma_wait3A_216 = tpu.memref_slice %arg5[%dma_wait3A_211, %dma_wait3A_215] : memref<16x128xi32, #tpu.memory_space<vmem>> -> memref<1x128xi32, #tpu.memory_space<vmem>>
    %dma_wait3A_217 = tpu.memref_squeeze %dma_wait3A_216 : memref<1x128xi32, #tpu.memory_space<vmem>> -> memref<128xi32, #tpu.memory_space<vmem>>
    %dma_wait3A_218 = arith.constant 0 : i32
    %dma_wait3A_219 = arith.constant 0 : i32
    %dma_wait3A_220 = tpu.memref_slice %arg3[%dma_wait3A_218, %dma_wait3A_219] : memref<8192x32xf32, #tpu.memory_space<hbm>> -> memref<8192x32xf32, #tpu.memory_space<hbm>>
    tpu.wait_indirect_dma semaphore(%arg7 : memref<!tpu.dma_semaphore, #tpu.memory_space<semaphore_mem>>) src(%dma_wait3A_220 : memref<8192x32xf32, #tpu.memory_space<hbm>>) dst(%dma_wait3A_214 : memref<128x32xf32, #tpu.memory_space<vmem>>)
    %dma_wait3A_221 = arith.constant 6 : i32
    %dma_wait3A_222 = arith.constant 768 : i32
    %dma_wait3A_223 = arith.constant 0 : i32
    %dma_wait3A_224 = tpu.memref_slice %arg6[%dma_wait3A_222, %dma_wait3A_223] : memref<2048x32xf32, #tpu.memory_space<vmem>> -> memref<128x32xf32, #tpu.memory_space<vmem>>
    %dma_wait3A_225 = arith.constant 0 : i32
    %dma_wait3A_226 = tpu.memref_slice %arg5[%dma_wait3A_221, %dma_wait3A_225] : memref<16x128xi32, #tpu.memory_space<vmem>> -> memref<1x128xi32, #tpu.memory_space<vmem>>
    %dma_wait3A_227 = tpu.memref_squeeze %dma_wait3A_226 : memref<1x128xi32, #tpu.memory_space<vmem>> -> memref<128xi32, #tpu.memory_space<vmem>>
    %dma_wait3A_228 = arith.constant 0 : i32
    %dma_wait3A_229 = arith.constant 0 : i32
    %dma_wait3A_230 = tpu.memref_slice %arg3[%dma_wait3A_228, %dma_wait3A_229] : memref<8192x32xf32, #tpu.memory_space<hbm>> -> memref<8192x32xf32, #tpu.memory_space<hbm>>
    tpu.wait_indirect_dma semaphore(%arg7 : memref<!tpu.dma_semaphore, #tpu.memory_space<semaphore_mem>>) src(%dma_wait3A_230 : memref<8192x32xf32, #tpu.memory_space<hbm>>) dst(%dma_wait3A_224 : memref<128x32xf32, #tpu.memory_space<vmem>>)
    %dma_wait3A_231 = arith.constant 7 : i32
    %dma_wait3A_232 = arith.constant 896 : i32
    %dma_wait3A_233 = arith.constant 0 : i32
    %dma_wait3A_234 = tpu.memref_slice %arg6[%dma_wait3A_232, %dma_wait3A_233] : memref<2048x32xf32, #tpu.memory_space<vmem>> -> memref<128x32xf32, #tpu.memory_space<vmem>>
    %dma_wait3A_235 = arith.constant 0 : i32
    %dma_wait3A_236 = tpu.memref_slice %arg5[%dma_wait3A_231, %dma_wait3A_235] : memref<16x128xi32, #tpu.memory_space<vmem>> -> memref<1x128xi32, #tpu.memory_space<vmem>>
    %dma_wait3A_237 = tpu.memref_squeeze %dma_wait3A_236 : memref<1x128xi32, #tpu.memory_space<vmem>> -> memref<128xi32, #tpu.memory_space<vmem>>
    %dma_wait3A_238 = arith.constant 0 : i32
    %dma_wait3A_239 = arith.constant 0 : i32
    %dma_wait3A_240 = tpu.memref_slice %arg3[%dma_wait3A_238, %dma_wait3A_239] : memref<8192x32xf32, #tpu.memory_space<hbm>> -> memref<8192x32xf32, #tpu.memory_space<hbm>>
    tpu.wait_indirect_dma semaphore(%arg7 : memref<!tpu.dma_semaphore, #tpu.memory_space<semaphore_mem>>) src(%dma_wait3A_240 : memref<8192x32xf32, #tpu.memory_space<hbm>>) dst(%dma_wait3A_234 : memref<128x32xf32, #tpu.memory_space<vmem>>)
    %dma_wait3A_241 = arith.constant 8 : i32
    %dma_wait3A_242 = arith.constant 1024 : i32
    %dma_wait3A_243 = arith.constant 0 : i32
    %dma_wait3A_244 = tpu.memref_slice %arg6[%dma_wait3A_242, %dma_wait3A_243] : memref<2048x32xf32, #tpu.memory_space<vmem>> -> memref<128x32xf32, #tpu.memory_space<vmem>>
    %dma_wait3A_245 = arith.constant 0 : i32
    %dma_wait3A_246 = tpu.memref_slice %arg5[%dma_wait3A_241, %dma_wait3A_245] : memref<16x128xi32, #tpu.memory_space<vmem>> -> memref<1x128xi32, #tpu.memory_space<vmem>>
    %dma_wait3A_247 = tpu.memref_squeeze %dma_wait3A_246 : memref<1x128xi32, #tpu.memory_space<vmem>> -> memref<128xi32, #tpu.memory_space<vmem>>
    %dma_wait3A_248 = arith.constant 0 : i32
    %dma_wait3A_249 = arith.constant 0 : i32
    %dma_wait3A_250 = tpu.memref_slice %arg3[%dma_wait3A_248, %dma_wait3A_249] : memref<8192x32xf32, #tpu.memory_space<hbm>> -> memref<8192x32xf32, #tpu.memory_space<hbm>>
    tpu.wait_indirect_dma semaphore(%arg7 : memref<!tpu.dma_semaphore, #tpu.memory_space<semaphore_mem>>) src(%dma_wait3A_250 : memref<8192x32xf32, #tpu.memory_space<hbm>>) dst(%dma_wait3A_244 : memref<128x32xf32, #tpu.memory_space<vmem>>)
    %dma_wait3A_251 = arith.constant 9 : i32
    %dma_wait3A_252 = arith.constant 1152 : i32
    %dma_wait3A_253 = arith.constant 0 : i32
    %dma_wait3A_254 = tpu.memref_slice %arg6[%dma_wait3A_252, %dma_wait3A_253] : memref<2048x32xf32, #tpu.memory_space<vmem>> -> memref<128x32xf32, #tpu.memory_space<vmem>>
    %dma_wait3A_255 = arith.constant 0 : i32
    %dma_wait3A_256 = tpu.memref_slice %arg5[%dma_wait3A_251, %dma_wait3A_255] : memref<16x128xi32, #tpu.memory_space<vmem>> -> memref<1x128xi32, #tpu.memory_space<vmem>>
    %dma_wait3A_257 = tpu.memref_squeeze %dma_wait3A_256 : memref<1x128xi32, #tpu.memory_space<vmem>> -> memref<128xi32, #tpu.memory_space<vmem>>
    %dma_wait3A_258 = arith.constant 0 : i32
    %dma_wait3A_259 = arith.constant 0 : i32
    %dma_wait3A_260 = tpu.memref_slice %arg3[%dma_wait3A_258, %dma_wait3A_259] : memref<8192x32xf32, #tpu.memory_space<hbm>> -> memref<8192x32xf32, #tpu.memory_space<hbm>>
    tpu.wait_indirect_dma semaphore(%arg7 : memref<!tpu.dma_semaphore, #tpu.memory_space<semaphore_mem>>) src(%dma_wait3A_260 : memref<8192x32xf32, #tpu.memory_space<hbm>>) dst(%dma_wait3A_254 : memref<128x32xf32, #tpu.memory_space<vmem>>)
    %dma_wait3A_261 = arith.constant 10 : i32
    %dma_wait3A_262 = arith.constant 1280 : i32
    %dma_wait3A_263 = arith.constant 0 : i32
    %dma_wait3A_264 = tpu.memref_slice %arg6[%dma_wait3A_262, %dma_wait3A_263] : memref<2048x32xf32, #tpu.memory_space<vmem>> -> memref<128x32xf32, #tpu.memory_space<vmem>>
    %dma_wait3A_265 = arith.constant 0 : i32
    %dma_wait3A_266 = tpu.memref_slice %arg5[%dma_wait3A_261, %dma_wait3A_265] : memref<16x128xi32, #tpu.memory_space<vmem>> -> memref<1x128xi32, #tpu.memory_space<vmem>>
    %dma_wait3A_267 = tpu.memref_squeeze %dma_wait3A_266 : memref<1x128xi32, #tpu.memory_space<vmem>> -> memref<128xi32, #tpu.memory_space<vmem>>
    %dma_wait3A_268 = arith.constant 0 : i32
    %dma_wait3A_269 = arith.constant 0 : i32
    %dma_wait3A_270 = tpu.memref_slice %arg3[%dma_wait3A_268, %dma_wait3A_269] : memref<8192x32xf32, #tpu.memory_space<hbm>> -> memref<8192x32xf32, #tpu.memory_space<hbm>>
    tpu.wait_indirect_dma semaphore(%arg7 : memref<!tpu.dma_semaphore, #tpu.memory_space<semaphore_mem>>) src(%dma_wait3A_270 : memref<8192x32xf32, #tpu.memory_space<hbm>>) dst(%dma_wait3A_264 : memref<128x32xf32, #tpu.memory_space<vmem>>)
    %dma_wait3A_271 = arith.constant 11 : i32
    %dma_wait3A_272 = arith.constant 1408 : i32
    %dma_wait3A_273 = arith.constant 0 : i32
    %dma_wait3A_274 = tpu.memref_slice %arg6[%dma_wait3A_272, %dma_wait3A_273] : memref<2048x32xf32, #tpu.memory_space<vmem>> -> memref<128x32xf32, #tpu.memory_space<vmem>>
    %dma_wait3A_275 = arith.constant 0 : i32
    %dma_wait3A_276 = tpu.memref_slice %arg5[%dma_wait3A_271, %dma_wait3A_275] : memref<16x128xi32, #tpu.memory_space<vmem>> -> memref<1x128xi32, #tpu.memory_space<vmem>>
    %dma_wait3A_277 = tpu.memref_squeeze %dma_wait3A_276 : memref<1x128xi32, #tpu.memory_space<vmem>> -> memref<128xi32, #tpu.memory_space<vmem>>
    %dma_wait3A_278 = arith.constant 0 : i32
    %dma_wait3A_279 = arith.constant 0 : i32
    %dma_wait3A_280 = tpu.memref_slice %arg3[%dma_wait3A_278, %dma_wait3A_279] : memref<8192x32xf32, #tpu.memory_space<hbm>> -> memref<8192x32xf32, #tpu.memory_space<hbm>>
    tpu.wait_indirect_dma semaphore(%arg7 : memref<!tpu.dma_semaphore, #tpu.memory_space<semaphore_mem>>) src(%dma_wait3A_280 : memref<8192x32xf32, #tpu.memory_space<hbm>>) dst(%dma_wait3A_274 : memref<128x32xf32, #tpu.memory_space<vmem>>)
    %dma_wait3A_281 = arith.constant 12 : i32
    %dma_wait3A_282 = arith.constant 1536 : i32
    %dma_wait3A_283 = arith.constant 0 : i32
    %dma_wait3A_284 = tpu.memref_slice %arg6[%dma_wait3A_282, %dma_wait3A_283] : memref<2048x32xf32, #tpu.memory_space<vmem>> -> memref<128x32xf32, #tpu.memory_space<vmem>>
    %dma_wait3A_285 = arith.constant 0 : i32
    %dma_wait3A_286 = tpu.memref_slice %arg5[%dma_wait3A_281, %dma_wait3A_285] : memref<16x128xi32, #tpu.memory_space<vmem>> -> memref<1x128xi32, #tpu.memory_space<vmem>>
    %dma_wait3A_287 = tpu.memref_squeeze %dma_wait3A_286 : memref<1x128xi32, #tpu.memory_space<vmem>> -> memref<128xi32, #tpu.memory_space<vmem>>
    %dma_wait3A_288 = arith.constant 0 : i32
    %dma_wait3A_289 = arith.constant 0 : i32
    %dma_wait3A_290 = tpu.memref_slice %arg3[%dma_wait3A_288, %dma_wait3A_289] : memref<8192x32xf32, #tpu.memory_space<hbm>> -> memref<8192x32xf32, #tpu.memory_space<hbm>>
    tpu.wait_indirect_dma semaphore(%arg7 : memref<!tpu.dma_semaphore, #tpu.memory_space<semaphore_mem>>) src(%dma_wait3A_290 : memref<8192x32xf32, #tpu.memory_space<hbm>>) dst(%dma_wait3A_284 : memref<128x32xf32, #tpu.memory_space<vmem>>)
    %dma_wait3A_291 = arith.constant 13 : i32
    %dma_wait3A_292 = arith.constant 1664 : i32
    %dma_wait3A_293 = arith.constant 0 : i32
    %dma_wait3A_294 = tpu.memref_slice %arg6[%dma_wait3A_292, %dma_wait3A_293] : memref<2048x32xf32, #tpu.memory_space<vmem>> -> memref<128x32xf32, #tpu.memory_space<vmem>>
    %dma_wait3A_295 = arith.constant 0 : i32
    %dma_wait3A_296 = tpu.memref_slice %arg5[%dma_wait3A_291, %dma_wait3A_295] : memref<16x128xi32, #tpu.memory_space<vmem>> -> memref<1x128xi32, #tpu.memory_space<vmem>>
    %dma_wait3A_297 = tpu.memref_squeeze %dma_wait3A_296 : memref<1x128xi32, #tpu.memory_space<vmem>> -> memref<128xi32, #tpu.memory_space<vmem>>
    %dma_wait3A_298 = arith.constant 0 : i32
    %dma_wait3A_299 = arith.constant 0 : i32
    %dma_wait3A_300 = tpu.memref_slice %arg3[%dma_wait3A_298, %dma_wait3A_299] : memref<8192x32xf32, #tpu.memory_space<hbm>> -> memref<8192x32xf32, #tpu.memory_space<hbm>>
    tpu.wait_indirect_dma semaphore(%arg7 : memref<!tpu.dma_semaphore, #tpu.memory_space<semaphore_mem>>) src(%dma_wait3A_300 : memref<8192x32xf32, #tpu.memory_space<hbm>>) dst(%dma_wait3A_294 : memref<128x32xf32, #tpu.memory_space<vmem>>)
    %dma_wait3A_301 = arith.constant 14 : i32
    %dma_wait3A_302 = arith.constant 1792 : i32
    %dma_wait3A_303 = arith.constant 0 : i32
    %dma_wait3A_304 = tpu.memref_slice %arg6[%dma_wait3A_302, %dma_wait3A_303] : memref<2048x32xf32, #tpu.memory_space<vmem>> -> memref<128x32xf32, #tpu.memory_space<vmem>>
    %dma_wait3A_305 = arith.constant 0 : i32
    %dma_wait3A_306 = tpu.memref_slice %arg5[%dma_wait3A_301, %dma_wait3A_305] : memref<16x128xi32, #tpu.memory_space<vmem>> -> memref<1x128xi32, #tpu.memory_space<vmem>>
    %dma_wait3A_307 = tpu.memref_squeeze %dma_wait3A_306 : memref<1x128xi32, #tpu.memory_space<vmem>> -> memref<128xi32, #tpu.memory_space<vmem>>
    %dma_wait3A_308 = arith.constant 0 : i32
    %dma_wait3A_309 = arith.constant 0 : i32
    %dma_wait3A_310 = tpu.memref_slice %arg3[%dma_wait3A_308, %dma_wait3A_309] : memref<8192x32xf32, #tpu.memory_space<hbm>> -> memref<8192x32xf32, #tpu.memory_space<hbm>>
    tpu.wait_indirect_dma semaphore(%arg7 : memref<!tpu.dma_semaphore, #tpu.memory_space<semaphore_mem>>) src(%dma_wait3A_310 : memref<8192x32xf32, #tpu.memory_space<hbm>>) dst(%dma_wait3A_304 : memref<128x32xf32, #tpu.memory_space<vmem>>)
    %dma_wait3A_311 = arith.constant 15 : i32
    %dma_wait3A_312 = arith.constant 1920 : i32
    %dma_wait3A_313 = arith.constant 0 : i32
    %dma_wait3A_314 = tpu.memref_slice %arg6[%dma_wait3A_312, %dma_wait3A_313] : memref<2048x32xf32, #tpu.memory_space<vmem>> -> memref<128x32xf32, #tpu.memory_space<vmem>>
    %dma_wait3A_315 = arith.constant 0 : i32
    %dma_wait3A_316 = tpu.memref_slice %arg5[%dma_wait3A_311, %dma_wait3A_315] : memref<16x128xi32, #tpu.memory_space<vmem>> -> memref<1x128xi32, #tpu.memory_space<vmem>>
    %dma_wait3A_317 = tpu.memref_squeeze %dma_wait3A_316 : memref<1x128xi32, #tpu.memory_space<vmem>> -> memref<128xi32, #tpu.memory_space<vmem>>
    %dma_wait3A_318 = arith.constant 0 : i32
    %dma_wait3A_319 = arith.constant 0 : i32
    %dma_wait3A_320 = tpu.memref_slice %arg3[%dma_wait3A_318, %dma_wait3A_319] : memref<8192x32xf32, #tpu.memory_space<hbm>> -> memref<8192x32xf32, #tpu.memory_space<hbm>>
    tpu.wait_indirect_dma semaphore(%arg7 : memref<!tpu.dma_semaphore, #tpu.memory_space<semaphore_mem>>) src(%dma_wait3A_320 : memref<8192x32xf32, #tpu.memory_space<hbm>>) dst(%dma_wait3A_314 : memref<128x32xf32, #tpu.memory_space<vmem>>)
    %mul3A_321 = arith.constant 2048 : i32
    %mul3A_322 = arith.muli %add3A, %mul3A_321 : i32
    "tpu.region"() ({
      %run_scoped3A = tpu.sem_alloc : memref<!tpu.dma_semaphore, #tpu.memory_space<semaphore_mem>>
      %dma_start3A_323 = arith.constant 0 : i32
      %dma_start3A_324 = tpu.memref_slice %arg4[%mul3A_322, %dma_start3A_323] : memref<65536x32xf32, #tpu.memory_space<hbm>> -> memref<2048x32xf32, #tpu.memory_space<hbm>>
      %dma_start3A_325 = arith.constant 0 : i32
      %dma_start3A_326 = tpu.memref_slice %arg4[%mul3A_322, %dma_start3A_325] : memref<65536x32xf32, #tpu.memory_space<hbm>> -> memref<2048x32xf32, #tpu.memory_space<hbm>>
      tpu.enqueue_dma source(%arg6 : memref<2048x32xf32, #tpu.memory_space<vmem>>) target(%dma_start3A_326 : memref<2048x32xf32, #tpu.memory_space<hbm>>) target_semaphore(%run_scoped3A : memref<!tpu.dma_semaphore, #tpu.memory_space<semaphore_mem>>)
      %dma_wait3A_327 = arith.constant 0 : i32
      %dma_wait3A_328 = tpu.memref_slice %arg4[%mul3A_322, %dma_wait3A_327] : memref<65536x32xf32, #tpu.memory_space<hbm>> -> memref<2048x32xf32, #tpu.memory_space<hbm>>
      %dma_wait3A_329 = arith.constant 0 : i32
      %dma_wait3A_330 = tpu.memref_slice %arg4[%mul3A_322, %dma_wait3A_329] : memref<65536x32xf32, #tpu.memory_space<hbm>> -> memref<2048x32xf32, #tpu.memory_space<hbm>>
      tpu.wait_dma2 semaphore(%run_scoped3A : memref<!tpu.dma_semaphore, #tpu.memory_space<semaphore_mem>>) src(%arg6 : memref<2048x32xf32, #tpu.memory_space<vmem>>) dst(%dma_wait3A_330 : memref<2048x32xf32, #tpu.memory_space<hbm>>)
      tpu.yield
    }) : () -> ()
    return
  }
}

module attributes {stable_mosaic.version = 14 : i64} {
  func.func @_encoder_body(%arg0: i32, %arg1: memref<256x512xf32, #tpu.memory_space<vmem>>, %arg2: memref<512x256xf32, #tpu.memory_space<vmem>>, %arg3: memref<1x256xf32, #tpu.memory_space<vmem>>, %arg4: memref<256x256xf32, #tpu.memory_space<vmem>>, %arg5: memref<1x256xf32, #tpu.memory_space<vmem>>, %arg6: memref<256x128xf32, #tpu.memory_space<vmem>>, %arg7: memref<1x128xf32, #tpu.memory_space<vmem>>, %arg8: memref<128x2048xf32, #tpu.memory_space<vmem>>, %arg9: memref<1x2048xf32, #tpu.memory_space<vmem>>, %arg10: memref<256x2048xf32, #tpu.memory_space<vmem>>) attributes {dimension_semantics = [#tpu.dimension_semantics<arbitrary>], iteration_bounds = array<i64: 4>, scalar_prefetch = 0 : i64, scratch_operands = 0 : i64, tpu.core_type = #tpu.core_type<tc>, window_params = [{transform_indices = @transform_0, window_bounds = array<i64: 256, 512>}, {pipeline_mode = #tpu.pipeline_mode<synchronous>, transform_indices = @transform_1, window_bounds = array<i64: 512, 256>}, {pipeline_mode = #tpu.pipeline_mode<synchronous>, transform_indices = @transform_2, window_bounds = array<i64: 1, 256>}, {pipeline_mode = #tpu.pipeline_mode<synchronous>, transform_indices = @transform_3, window_bounds = array<i64: 256, 256>}, {pipeline_mode = #tpu.pipeline_mode<synchronous>, transform_indices = @transform_4, window_bounds = array<i64: 1, 256>}, {pipeline_mode = #tpu.pipeline_mode<synchronous>, transform_indices = @transform_5, window_bounds = array<i64: 256, 128>}, {pipeline_mode = #tpu.pipeline_mode<synchronous>, transform_indices = @transform_6, window_bounds = array<i64: 1, 128>}, {pipeline_mode = #tpu.pipeline_mode<synchronous>, transform_indices = @transform_7, window_bounds = array<i64: 128, 2048>}, {pipeline_mode = #tpu.pipeline_mode<synchronous>, transform_indices = @transform_8, window_bounds = array<i64: 1, 2048>}, {transform_indices = @transform_9, window_bounds = array<i64: 256, 2048>}]} {
    %get3A = arith.constant 0 : index
    %get3A_0 = arith.constant 0 : index
    %get3A_1 = vector.load %arg1[%get3A, %get3A_0] : memref<256x512xf32, #tpu.memory_space<vmem>>, vector<256x512xf32>
    %get3A_2 = arith.constant 0 : index
    %get3A_3 = arith.constant 0 : index
    %get3A_4 = vector.load %arg2[%get3A_2, %get3A_3] : memref<512x256xf32, #tpu.memory_space<vmem>>, vector<512x256xf32>
    %dot_general3A = arith.constant dense<0.000000e+00> : vector<256x256xf32>
    %dot_general3A_5 = tpu.matmul %get3A_1, %get3A_4, %dot_general3A {dimension_numbers = #tpu.dot_dimension_numbers<[1], [0], [0], [1], [0, 0, 1, 1], [], []>, transpose_lhs_hint = false} : vector<256x512xf32>, vector<512x256xf32>, vector<256x256xf32> -> vector<256x256xf32>
    %get3A_6 = arith.constant 0 : index
    %get3A_7 = arith.constant 0 : index
    %get3A_8 = vector.load %arg3[%get3A_6, %get3A_7] : memref<1x256xf32, #tpu.memory_space<vmem>>, vector<1x256xf32>
    %add3A = vector.broadcast %get3A_8 : vector<1x256xf32> to vector<256x256xf32>
    %add3A_9 = arith.addf %dot_general3A_5, %add3A : vector<256x256xf32>
    %max3A = arith.constant 0.000000e+00 : f32
    %max3A_10 = vector.broadcast %max3A : f32 to vector<256x256xf32>
    %max3A_11 = arith.maximumf %add3A_9, %max3A_10 : vector<256x256xf32>
    %get3A_12 = arith.constant 0 : index
    %get3A_13 = arith.constant 0 : index
    %get3A_14 = vector.load %arg4[%get3A_12, %get3A_13] : memref<256x256xf32, #tpu.memory_space<vmem>>, vector<256x256xf32>
    %dot_general3A_15 = arith.constant dense<0.000000e+00> : vector<256x256xf32>
    %dot_general3A_16 = tpu.matmul %max3A_11, %get3A_14, %dot_general3A_15 {dimension_numbers = #tpu.dot_dimension_numbers<[1], [0], [0], [1], [0, 0, 1, 1], [], []>, transpose_lhs_hint = false} : vector<256x256xf32>, vector<256x256xf32>, vector<256x256xf32> -> vector<256x256xf32>
    %get3A_17 = arith.constant 0 : index
    %get3A_18 = arith.constant 0 : index
    %get3A_19 = vector.load %arg5[%get3A_17, %get3A_18] : memref<1x256xf32, #tpu.memory_space<vmem>>, vector<1x256xf32>
    %add3A_20 = vector.broadcast %get3A_19 : vector<1x256xf32> to vector<256x256xf32>
    %add3A_21 = arith.addf %dot_general3A_16, %add3A_20 : vector<256x256xf32>
    %max3A_22 = arith.constant 0.000000e+00 : f32
    %max3A_23 = vector.broadcast %max3A_22 : f32 to vector<256x256xf32>
    %max3A_24 = arith.maximumf %add3A_21, %max3A_23 : vector<256x256xf32>
    %get3A_25 = arith.constant 0 : index
    %get3A_26 = arith.constant 0 : index
    %get3A_27 = vector.load %arg6[%get3A_25, %get3A_26] : memref<256x128xf32, #tpu.memory_space<vmem>>, vector<256x128xf32>
    %dot_general3A_28 = arith.constant dense<0.000000e+00> : vector<256x128xf32>
    %dot_general3A_29 = tpu.matmul %max3A_24, %get3A_27, %dot_general3A_28 {dimension_numbers = #tpu.dot_dimension_numbers<[1], [0], [0], [1], [0, 0, 1, 1], [], []>, transpose_lhs_hint = false} : vector<256x256xf32>, vector<256x128xf32>, vector<256x128xf32> -> vector<256x128xf32>
    %get3A_30 = arith.constant 0 : index
    %get3A_31 = arith.constant 0 : index
    %get3A_32 = vector.load %arg7[%get3A_30, %get3A_31] : memref<1x128xf32, #tpu.memory_space<vmem>>, vector<1x128xf32>
    %add3A_33 = vector.broadcast %get3A_32 : vector<1x128xf32> to vector<256x128xf32>
    %add3A_34 = arith.addf %dot_general3A_29, %add3A_33 : vector<256x128xf32>
    %max3A_35 = arith.constant 0.000000e+00 : f32
    %max3A_36 = vector.broadcast %max3A_35 : f32 to vector<256x128xf32>
    %max3A_37 = arith.maximumf %add3A_34, %max3A_36 : vector<256x128xf32>
    %get3A_38 = arith.constant 0 : index
    %get3A_39 = arith.constant 0 : index
    %get3A_40 = vector.load %arg8[%get3A_38, %get3A_39] : memref<128x2048xf32, #tpu.memory_space<vmem>>, vector<128x2048xf32>
    %dot_general3A_41 = arith.constant dense<0.000000e+00> : vector<256x2048xf32>
    %dot_general3A_42 = tpu.matmul %max3A_37, %get3A_40, %dot_general3A_41 {dimension_numbers = #tpu.dot_dimension_numbers<[1], [0], [0], [1], [0, 0, 1, 1], [], []>, transpose_lhs_hint = false} : vector<256x128xf32>, vector<128x2048xf32>, vector<256x2048xf32> -> vector<256x2048xf32>
    %get3A_43 = arith.constant 0 : index
    %get3A_44 = arith.constant 0 : index
    %get3A_45 = vector.load %arg9[%get3A_43, %get3A_44] : memref<1x2048xf32, #tpu.memory_space<vmem>>, vector<1x2048xf32>
    %add3A_46 = vector.broadcast %get3A_45 : vector<1x2048xf32> to vector<256x2048xf32>
    %add3A_47 = arith.addf %dot_general3A_42, %add3A_46 : vector<256x2048xf32>
    %swap3A = arith.constant 0 : index
    %swap3A_48 = arith.constant 0 : index
    %swap3A_49 = vector.load %arg10[%swap3A, %swap3A_48] : memref<256x2048xf32, #tpu.memory_space<vmem>>, vector<256x2048xf32>
    tpu.vector_store %arg10[%swap3A, %swap3A_48], %add3A_47 {strides = array<i32>} : memref<256x2048xf32, #tpu.memory_space<vmem>>, vector<256x2048xf32>,
    return
  }
  func.func @transform_0(%arg0: i32) -> (i32, i32) {
    %c0_i32 = arith.constant 0 : i32
    %c0_i32_0 = arith.constant 0 : i32
    return %arg0, %c0_i32 : i32, i32
  }
  func.func @transform_1(%arg0: i32) -> (i32, i32) {
    %c0_i32 = arith.constant 0 : i32
    %c0_i32_0 = arith.constant 0 : i32
    %c0_i32_1 = arith.constant 0 : i32
    return %c0_i32, %c0_i32_0 : i32, i32
  }
  func.func @transform_2(%arg0: i32) -> (i32, i32) {
    %c0_i32 = arith.constant 0 : i32
    %c0_i32_0 = arith.constant 0 : i32
    %c0_i32_1 = arith.constant 0 : i32
    return %c0_i32, %c0_i32_0 : i32, i32
  }
  func.func @transform_3(%arg0: i32) -> (i32, i32) {
    %c0_i32 = arith.constant 0 : i32
    %c0_i32_0 = arith.constant 0 : i32
    %c0_i32_1 = arith.constant 0 : i32
    return %c0_i32, %c0_i32_0 : i32, i32
  }
  func.func @transform_4(%arg0: i32) -> (i32, i32) {
    %c0_i32 = arith.constant 0 : i32
    %c0_i32_0 = arith.constant 0 : i32
    %c0_i32_1 = arith.constant 0 : i32
    return %c0_i32, %c0_i32_0 : i32, i32
  }
  func.func @transform_5(%arg0: i32) -> (i32, i32) {
    %c0_i32 = arith.constant 0 : i32
    %c0_i32_0 = arith.constant 0 : i32
    %c0_i32_1 = arith.constant 0 : i32
    return %c0_i32, %c0_i32_0 : i32, i32
  }
  func.func @transform_6(%arg0: i32) -> (i32, i32) {
    %c0_i32 = arith.constant 0 : i32
    %c0_i32_0 = arith.constant 0 : i32
    %c0_i32_1 = arith.constant 0 : i32
    return %c0_i32, %c0_i32_0 : i32, i32
  }
  func.func @transform_7(%arg0: i32) -> (i32, i32) {
    %c0_i32 = arith.constant 0 : i32
    %c0_i32_0 = arith.constant 0 : i32
    %c0_i32_1 = arith.constant 0 : i32
    return %c0_i32, %c0_i32_0 : i32, i32
  }
  func.func @transform_8(%arg0: i32) -> (i32, i32) {
    %c0_i32 = arith.constant 0 : i32
    %c0_i32_0 = arith.constant 0 : i32
    %c0_i32_1 = arith.constant 0 : i32
    return %c0_i32, %c0_i32_0 : i32, i32
  }
  func.func @transform_9(%arg0: i32) -> (i32, i32) {
    %c0_i32 = arith.constant 0 : i32
    %c0_i32_0 = arith.constant 0 : i32
    return %arg0, %c0_i32 : i32, i32
  }
}

module attributes {stable_mosaic.version = 14 : i64} {
  func.func @_argmin_body(%arg0: i32, %arg1: i32, %arg2: memref<256x32xf32, #tpu.memory_space<vmem>>, %arg3: memref<32x512xf32, #tpu.memory_space<vmem>>, %arg4: memref<256xi32, #tpu.memory_space<vmem>>, %arg5: memref<256xf32, #tpu.memory_space<vmem>>, %arg6: memref<256xi32, #tpu.memory_space<vmem>>) attributes {dimension_semantics = [#tpu.dimension_semantics<arbitrary>, #tpu.dimension_semantics<arbitrary>], iteration_bounds = array<i64: 256, 16>, scalar_prefetch = 0 : i64, scratch_operands = 2 : i64, tpu.core_type = #tpu.core_type<tc>, window_params = [{transform_indices = @transform_0, window_bounds = array<i64: 256, 32>}, {transform_indices = @transform_1, window_bounds = array<i64: 32, 512>}, {transform_indices = @transform_2, window_bounds = array<i64: 256>}]} {
    %eq3A = arith.constant 0 : i32
    %eq3A_0 = arith.cmpi eq, %arg1, %eq3A : i32
    %convert_element_type3A = arith.extui %eq3A_0 : i1 to i32
    %cond3A = arith.constant 0 : i32
    %cond3A_1 = arith.cmpi ne, %convert_element_type3A, %cond3A : i32
    scf.if %cond3A_1 {
      %broadcast_in_dim3A_45 = arith.constant 0x7F800000 : f32
      %broadcast_in_dim3A_46 = vector.broadcast %broadcast_in_dim3A_45 : f32 to vector<256xf32>
      %swap3A_47 = arith.constant 0 : index
      %swap3A_48 = vector.load %arg5[%swap3A_47] : memref<256xf32, #tpu.memory_space<vmem>>, vector<256xf32>
      tpu.vector_store %arg5[%swap3A_47], %broadcast_in_dim3A_46 {strides = array<i32>} : memref<256xf32, #tpu.memory_space<vmem>>, vector<256xf32>,
      %broadcast_in_dim3A_49 = arith.constant 0 : i32
      %broadcast_in_dim3A_50 = vector.broadcast %broadcast_in_dim3A_49 : i32 to vector<256xi32>
      %swap3A_51 = arith.constant 0 : index
      %swap3A_52 = vector.load %arg6[%swap3A_51] : memref<256xi32, #tpu.memory_space<vmem>>, vector<256xi32>
      tpu.vector_store %arg6[%swap3A_51], %broadcast_in_dim3A_50 {strides = array<i32>} : memref<256xi32, #tpu.memory_space<vmem>>, vector<256xi32>,
    } else {
    }
    %get3A = arith.constant 0 : index
    %get3A_2 = arith.constant 0 : index
    %get3A_3 = vector.load %arg2[%get3A, %get3A_2] : memref<256x32xf32, #tpu.memory_space<vmem>>, vector<256x32xf32>
    %get3A_4 = arith.constant 0 : index
    %get3A_5 = arith.constant 0 : index
    %get3A_6 = vector.load %arg3[%get3A_4, %get3A_5] : memref<32x512xf32, #tpu.memory_space<vmem>>, vector<32x512xf32>
    %mul3A = arith.mulf %get3A_6, %get3A_6 : vector<32x512xf32>
    %reduce_sum3A = arith.constant dense<0.000000e+00> : vector<512xf32>
    %reduce_sum3A_7 = vector.multi_reduction <add>, %mul3A, %reduce_sum3A [0] : vector<32x512xf32> to vector<512xf32>
    %mul3A_8 = arith.mulf %get3A_3, %get3A_3 : vector<256x32xf32>
    %reduce_sum3A_9 = arith.constant dense<0.000000e+00> : vector<256xf32>
    %reduce_sum3A_10 = vector.multi_reduction <add>, %mul3A_8, %reduce_sum3A_9 [1] : vector<256x32xf32> to vector<256xf32>
    %broadcast_in_dim3A = vector.shape_cast %reduce_sum3A_10 : vector<256xf32> to vector<256x1xf32>
    %broadcast_in_dim3A_11 = vector.shape_cast %reduce_sum3A_7 : vector<512xf32> to vector<1x512xf32>
    %add3A = vector.broadcast %broadcast_in_dim3A : vector<256x1xf32> to vector<256x512xf32>
    %add3A_12 = vector.broadcast %broadcast_in_dim3A_11 : vector<1x512xf32> to vector<256x512xf32>
    %add3A_13 = arith.addf %add3A, %add3A_12 : vector<256x512xf32>
    %dot_general3A = arith.constant dense<0.000000e+00> : vector<256x512xf32>
    %dot_general3A_14 = tpu.matmul %get3A_3, %get3A_6, %dot_general3A {dimension_numbers = #tpu.dot_dimension_numbers<[1], [0], [0], [1], [0, 0, 1, 1], [], []>, transpose_lhs_hint = false} : vector<256x32xf32>, vector<32x512xf32>, vector<256x512xf32> -> vector<256x512xf32>
    %mul3A_15 = arith.constant 2.000000e+00 : f32
    %mul3A_16 = vector.broadcast %mul3A_15 : f32 to vector<256x512xf32>
    %mul3A_17 = arith.mulf %mul3A_16, %dot_general3A_14 : vector<256x512xf32>
    %sub3A = arith.subf %add3A_13, %mul3A_17 : vector<256x512xf32>
    %reduce_min3A = arith.constant dense<0x7F800000> : vector<256xf32>
    %reduce_min3A_18 = vector.multi_reduction <minimumf>, %sub3A, %reduce_min3A [1] : vector<256x512xf32> to vector<256xf32>
    %iota3A = tpu.iota {dimensions = array<i32: 1>} : vector<256x512xi32>
    %broadcast_in_dim3A_19 = vector.shape_cast %reduce_min3A_18 : vector<256xf32> to vector<256x1xf32>
    %eq3A_20 = vector.broadcast %broadcast_in_dim3A_19 : vector<256x1xf32> to vector<256x512xf32>
    %eq3A_21 = arith.cmpf oeq, %sub3A, %eq3A_20 : vector<256x512xf32>
    %jit3A = arith.constant 8192 : i32
    %broadcast_in_dim3A_22 = vector.broadcast %jit3A : i32 to vector<256x512xi32>
    %select_n3A = arith.select %eq3A_21, %iota3A, %broadcast_in_dim3A_22 : vector<256x512xi1>, vector<256x512xi32>
    %reduce_min3A_23 = arith.constant dense<2147483647> : vector<256xi32>
    %reduce_min3A_24 = vector.multi_reduction <minsi>, %select_n3A, %reduce_min3A_23 [1] : vector<256x512xi32> to vector<256xi32>
    %mul3A_25 = arith.constant 512 : i32
    %mul3A_26 = arith.muli %arg1, %mul3A_25 : i32
    %add3A_27 = vector.broadcast %mul3A_26 : i32 to vector<256xi32>
    %add3A_28 = arith.addi %reduce_min3A_24, %add3A_27 : vector<256xi32>
    %get3A_29 = arith.constant 0 : index
    %get3A_30 = vector.load %arg5[%get3A_29] : memref<256xf32, #tpu.memory_space<vmem>>, vector<256xf32>
    %lt3A = arith.cmpf olt, %reduce_min3A_18, %get3A_30 : vector<256xf32>
    %get3A_31 = arith.constant 0 : index
    %get3A_32 = vector.load %arg5[%get3A_31] : memref<256xf32, #tpu.memory_space<vmem>>, vector<256xf32>
    %select_n3A_33 = arith.select %lt3A, %reduce_min3A_18, %get3A_32 : vector<256xi1>, vector<256xf32>
    %swap3A = arith.constant 0 : index
    %swap3A_34 = vector.load %arg5[%swap3A] : memref<256xf32, #tpu.memory_space<vmem>>, vector<256xf32>
    tpu.vector_store %arg5[%swap3A], %select_n3A_33 {strides = array<i32>} : memref<256xf32, #tpu.memory_space<vmem>>, vector<256xf32>,
    %get3A_35 = arith.constant 0 : index
    %get3A_36 = vector.load %arg6[%get3A_35] : memref<256xi32, #tpu.memory_space<vmem>>, vector<256xi32>
    %select_n3A_37 = arith.select %lt3A, %add3A_28, %get3A_36 : vector<256xi1>, vector<256xi32>
    %swap3A_38 = arith.constant 0 : index
    %swap3A_39 = vector.load %arg6[%swap3A_38] : memref<256xi32, #tpu.memory_space<vmem>>, vector<256xi32>
    tpu.vector_store %arg6[%swap3A_38], %select_n3A_37 {strides = array<i32>} : memref<256xi32, #tpu.memory_space<vmem>>, vector<256xi32>,
    %eq3A_40 = arith.constant 15 : i32
    %eq3A_41 = arith.cmpi eq, %arg1, %eq3A_40 : i32
    %convert_element_type3A_42 = arith.extui %eq3A_41 : i1 to i32
    %cond3A_43 = arith.constant 0 : i32
    %cond3A_44 = arith.cmpi ne, %convert_element_type3A_42, %cond3A_43 : i32
    scf.if %cond3A_44 {
      %swap3A_45 = arith.constant 0 : index
      %swap3A_46 = vector.load %arg4[%swap3A_45] : memref<256xi32, #tpu.memory_space<vmem>>, vector<256xi32>
      tpu.vector_store %arg4[%swap3A_45], %select_n3A_37 {strides = array<i32>} : memref<256xi32, #tpu.memory_space<vmem>>, vector<256xi32>,
    } else {
    }
    return
  }
  func.func @transform_0(%arg0: i32, %arg1: i32) -> (i32, i32) {
    %c0_i32 = arith.constant 0 : i32
    %c0_i32_0 = arith.constant 0 : i32
    return %arg0, %c0_i32 : i32, i32
  }
  func.func @transform_1(%arg0: i32, %arg1: i32) -> (i32, i32) {
    %c0_i32 = arith.constant 0 : i32
    %c0_i32_0 = arith.constant 0 : i32
    return %c0_i32, %arg1 : i32, i32
  }
  func.func @transform_2(%arg0: i32, %arg1: i32) -> i32 {
    %c0_i32 = arith.constant 0 : i32
    return %arg0 : i32
  }
}

module attributes {stable_mosaic.version = 14 : i64} {
  func.func @_decoder_body(%arg0: i32, %arg1: memref<256x2048xf32, #tpu.memory_space<vmem>>, %arg2: memref<2048x128xf32, #tpu.memory_space<vmem>>, %arg3: memref<1x128xf32, #tpu.memory_space<vmem>>, %arg4: memref<128x256xf32, #tpu.memory_space<vmem>>, %arg5: memref<1x256xf32, #tpu.memory_space<vmem>>, %arg6: memref<256x256xf32, #tpu.memory_space<vmem>>, %arg7: memref<1x256xf32, #tpu.memory_space<vmem>>, %arg8: memref<256x512xf32, #tpu.memory_space<vmem>>, %arg9: memref<1x512xf32, #tpu.memory_space<vmem>>, %arg10: memref<256x512xf32, #tpu.memory_space<vmem>>) attributes {dimension_semantics = [#tpu.dimension_semantics<arbitrary>], iteration_bounds = array<i64: 4>, scalar_prefetch = 0 : i64, scratch_operands = 0 : i64, tpu.core_type = #tpu.core_type<tc>, window_params = [{transform_indices = @transform_0, window_bounds = array<i64: 256, 2048>}, {pipeline_mode = #tpu.pipeline_mode<synchronous>, transform_indices = @transform_1, window_bounds = array<i64: 2048, 128>}, {pipeline_mode = #tpu.pipeline_mode<synchronous>, transform_indices = @transform_2, window_bounds = array<i64: 1, 128>}, {pipeline_mode = #tpu.pipeline_mode<synchronous>, transform_indices = @transform_3, window_bounds = array<i64: 128, 256>}, {pipeline_mode = #tpu.pipeline_mode<synchronous>, transform_indices = @transform_4, window_bounds = array<i64: 1, 256>}, {pipeline_mode = #tpu.pipeline_mode<synchronous>, transform_indices = @transform_5, window_bounds = array<i64: 256, 256>}, {pipeline_mode = #tpu.pipeline_mode<synchronous>, transform_indices = @transform_6, window_bounds = array<i64: 1, 256>}, {pipeline_mode = #tpu.pipeline_mode<synchronous>, transform_indices = @transform_7, window_bounds = array<i64: 256, 512>}, {pipeline_mode = #tpu.pipeline_mode<synchronous>, transform_indices = @transform_8, window_bounds = array<i64: 1, 512>}, {transform_indices = @transform_9, window_bounds = array<i64: 256, 512>}]} {
    %get3A = arith.constant 0 : index
    %get3A_0 = arith.constant 0 : index
    %get3A_1 = vector.load %arg1[%get3A, %get3A_0] : memref<256x2048xf32, #tpu.memory_space<vmem>>, vector<256x2048xf32>
    %get3A_2 = arith.constant 0 : index
    %get3A_3 = arith.constant 0 : index
    %get3A_4 = vector.load %arg2[%get3A_2, %get3A_3] : memref<2048x128xf32, #tpu.memory_space<vmem>>, vector<2048x128xf32>
    %dot_general3A = arith.constant dense<0.000000e+00> : vector<256x128xf32>
    %dot_general3A_5 = tpu.matmul %get3A_1, %get3A_4, %dot_general3A {dimension_numbers = #tpu.dot_dimension_numbers<[1], [0], [0], [1], [0, 0, 1, 1], [], []>, transpose_lhs_hint = false} : vector<256x2048xf32>, vector<2048x128xf32>, vector<256x128xf32> -> vector<256x128xf32>
    %get3A_6 = arith.constant 0 : index
    %get3A_7 = arith.constant 0 : index
    %get3A_8 = vector.load %arg3[%get3A_6, %get3A_7] : memref<1x128xf32, #tpu.memory_space<vmem>>, vector<1x128xf32>
    %add3A = vector.broadcast %get3A_8 : vector<1x128xf32> to vector<256x128xf32>
    %add3A_9 = arith.addf %dot_general3A_5, %add3A : vector<256x128xf32>
    %get3A_10 = arith.constant 0 : index
    %get3A_11 = arith.constant 0 : index
    %get3A_12 = vector.load %arg4[%get3A_10, %get3A_11] : memref<128x256xf32, #tpu.memory_space<vmem>>, vector<128x256xf32>
    %dot_general3A_13 = arith.constant dense<0.000000e+00> : vector<256x256xf32>
    %dot_general3A_14 = tpu.matmul %add3A_9, %get3A_12, %dot_general3A_13 {dimension_numbers = #tpu.dot_dimension_numbers<[1], [0], [0], [1], [0, 0, 1, 1], [], []>, transpose_lhs_hint = false} : vector<256x128xf32>, vector<128x256xf32>, vector<256x256xf32> -> vector<256x256xf32>
    %get3A_15 = arith.constant 0 : index
    %get3A_16 = arith.constant 0 : index
    %get3A_17 = vector.load %arg5[%get3A_15, %get3A_16] : memref<1x256xf32, #tpu.memory_space<vmem>>, vector<1x256xf32>
    %add3A_18 = vector.broadcast %get3A_17 : vector<1x256xf32> to vector<256x256xf32>
    %add3A_19 = arith.addf %dot_general3A_14, %add3A_18 : vector<256x256xf32>
    %max3A = arith.constant 0.000000e+00 : f32
    %max3A_20 = vector.broadcast %max3A : f32 to vector<256x256xf32>
    %max3A_21 = arith.maximumf %add3A_19, %max3A_20 : vector<256x256xf32>
    %get3A_22 = arith.constant 0 : index
    %get3A_23 = arith.constant 0 : index
    %get3A_24 = vector.load %arg6[%get3A_22, %get3A_23] : memref<256x256xf32, #tpu.memory_space<vmem>>, vector<256x256xf32>
    %dot_general3A_25 = arith.constant dense<0.000000e+00> : vector<256x256xf32>
    %dot_general3A_26 = tpu.matmul %max3A_21, %get3A_24, %dot_general3A_25 {dimension_numbers = #tpu.dot_dimension_numbers<[1], [0], [0], [1], [0, 0, 1, 1], [], []>, transpose_lhs_hint = false} : vector<256x256xf32>, vector<256x256xf32>, vector<256x256xf32> -> vector<256x256xf32>
    %get3A_27 = arith.constant 0 : index
    %get3A_28 = arith.constant 0 : index
    %get3A_29 = vector.load %arg7[%get3A_27, %get3A_28] : memref<1x256xf32, #tpu.memory_space<vmem>>, vector<1x256xf32>
    %add3A_30 = vector.broadcast %get3A_29 : vector<1x256xf32> to vector<256x256xf32>
    %add3A_31 = arith.addf %dot_general3A_26, %add3A_30 : vector<256x256xf32>
    %max3A_32 = arith.constant 0.000000e+00 : f32
    %max3A_33 = vector.broadcast %max3A_32 : f32 to vector<256x256xf32>
    %max3A_34 = arith.maximumf %add3A_31, %max3A_33 : vector<256x256xf32>
    %get3A_35 = arith.constant 0 : index
    %get3A_36 = arith.constant 0 : index
    %get3A_37 = vector.load %arg8[%get3A_35, %get3A_36] : memref<256x512xf32, #tpu.memory_space<vmem>>, vector<256x512xf32>
    %dot_general3A_38 = arith.constant dense<0.000000e+00> : vector<256x512xf32>
    %dot_general3A_39 = tpu.matmul %max3A_34, %get3A_37, %dot_general3A_38 {dimension_numbers = #tpu.dot_dimension_numbers<[1], [0], [0], [1], [0, 0, 1, 1], [], []>, transpose_lhs_hint = false} : vector<256x256xf32>, vector<256x512xf32>, vector<256x512xf32> -> vector<256x512xf32>
    %get3A_40 = arith.constant 0 : index
    %get3A_41 = arith.constant 0 : index
    %get3A_42 = vector.load %arg9[%get3A_40, %get3A_41] : memref<1x512xf32, #tpu.memory_space<vmem>>, vector<1x512xf32>
    %add3A_43 = vector.broadcast %get3A_42 : vector<1x512xf32> to vector<256x512xf32>
    %add3A_44 = arith.addf %dot_general3A_39, %add3A_43 : vector<256x512xf32>
    %swap3A = arith.constant 0 : index
    %swap3A_45 = arith.constant 0 : index
    %swap3A_46 = vector.load %arg10[%swap3A, %swap3A_45] : memref<256x512xf32, #tpu.memory_space<vmem>>, vector<256x512xf32>
    tpu.vector_store %arg10[%swap3A, %swap3A_45], %add3A_44 {strides = array<i32>} : memref<256x512xf32, #tpu.memory_space<vmem>>, vector<256x512xf32>,
    return
  }
  func.func @transform_0(%arg0: i32) -> (i32, i32) {
    %c0_i32 = arith.constant 0 : i32
    %c0_i32_0 = arith.constant 0 : i32
    return %arg0, %c0_i32 : i32, i32
  }
  func.func @transform_1(%arg0: i32) -> (i32, i32) {
    %c0_i32 = arith.constant 0 : i32
    %c0_i32_0 = arith.constant 0 : i32
    %c0_i32_1 = arith.constant 0 : i32
    return %c0_i32, %c0_i32_0 : i32, i32
  }
  func.func @transform_2(%arg0: i32) -> (i32, i32) {
    %c0_i32 = arith.constant 0 : i32
    %c0_i32_0 = arith.constant 0 : i32
    %c0_i32_1 = arith.constant 0 : i32
    return %c0_i32, %c0_i32_0 : i32, i32
  }
  func.func @transform_3(%arg0: i32) -> (i32, i32) {
    %c0_i32 = arith.constant 0 : i32
    %c0_i32_0 = arith.constant 0 : i32
    %c0_i32_1 = arith.constant 0 : i32
    return %c0_i32, %c0_i32_0 : i32, i32
  }
  func.func @transform_4(%arg0: i32) -> (i32, i32) {
    %c0_i32 = arith.constant 0 : i32
    %c0_i32_0 = arith.constant 0 : i32
    %c0_i32_1 = arith.constant 0 : i32
    return %c0_i32, %c0_i32_0 : i32, i32
  }
  func.func @transform_5(%arg0: i32) -> (i32, i32) {
    %c0_i32 = arith.constant 0 : i32
    %c0_i32_0 = arith.constant 0 : i32
    %c0_i32_1 = arith.constant 0 : i32
    return %c0_i32, %c0_i32_0 : i32, i32
  }
  func.func @transform_6(%arg0: i32) -> (i32, i32) {
    %c0_i32 = arith.constant 0 : i32
    %c0_i32_0 = arith.constant 0 : i32
    %c0_i32_1 = arith.constant 0 : i32
    return %c0_i32, %c0_i32_0 : i32, i32
  }
  func.func @transform_7(%arg0: i32) -> (i32, i32) {
    %c0_i32 = arith.constant 0 : i32
    %c0_i32_0 = arith.constant 0 : i32
    %c0_i32_1 = arith.constant 0 : i32
    return %c0_i32, %c0_i32_0 : i32, i32
  }
  func.func @transform_8(%arg0: i32) -> (i32, i32) {
    %c0_i32 = arith.constant 0 : i32
    %c0_i32_0 = arith.constant 0 : i32
    %c0_i32_1 = arith.constant 0 : i32
    return %c0_i32, %c0_i32_0 : i32, i32
  }
  func.func @transform_9(%arg0: i32) -> (i32, i32) {
    %c0_i32 = arith.constant 0 : i32
    %c0_i32_0 = arith.constant 0 : i32
    return %arg0, %c0_i32 : i32, i32
  }
}

</mosaic_0001>

<sc_bundles>
// kernel: kernel.6.cloned.1.call-start
scs
__scs_entry_jumppad:
0x0: {  	(pc) =	sbr.rel $0x88, $3  }
0x1: {  	(tag) =	ssettag $0x0;
	lr =	simm.s32 $0x1  }
0x2: {  	[smem:$0x3F8F] =	sst lr;
	_ =	strace $0xD0000000  }
0x3: {  	_ = 	snop  }
0x4: {  	_ = 	snop  }
0x5: {  	_ = 	snop  }
0x6: {  	_ = 	snop  }
0x7: {  	_ = 	snop  }
__scs_overlays_trampoline_lowered:
0x8: {  	[smem:$0x3F9E] =	sst s0  }
0x9: {  	[smem:$0x3F9F] =	sst s1  }
0xa: {  	[smem:$0x3FA0] =	sst s2  }
0xb: {  	[smem:$0x3FA1] =	sst s3  }
0xc: {  	[smem:$0x3FA2] =	sst s4  }
0xd: {  	[smem:$0x3FA3] =	sst s5  }
0xe: {  	[smem:$0x3FA4] =	sst s6  }
0xf: {  	[smem:$0x3FA5] =	sst s7  }
0x10: {  	[smem:$0x3FA6] =	sst s8  }
0x11: {  	[smem:$0x3FA7] =	sst s9;
	s0 =	simm.s32 @!p0 $0x0  }
0x12: {  	s1 =	sld [smem:$0x3F8D];
	s0 =	simm.s32 @p0 $0x1  }
0x13: {  	[smem:$0x3FA8] =	sst s0;
	s0 =	simm.s32 @!p1 $0x0  }
0x14: {  	s2 =	sld [smem:$0x3F8C];
	s0 =	simm.s32 @p1 $0x1  }
0x15: {  	[smem:$0x3FA9] =	sst s0;
	s0 =	simm.s32 @!p2 $0x0  }
0x16: {  	s3 =	sld [smem:$0x3FDB];
	s0 =	simm.s32 @p2 $0x1  }
0x17: {  	s4 =	simm.s32 $0x1BF5;
	[smem:$0x3FAB] =	sst s0  }
0x18: {  	s0 =	sld [smem:$0x3F8E];
	_ =	swait.ge [sflag:s4], $0x0  }
0x19: {  	s7 =	sld [smem:$0x3F8F]  }
0x1a: {  	s8 =	sadd.s32 $0xFFFFE003, lr  }
0x1b: {  	s9 =	sadd.s32 $0xFFFFFEF7, lr;
	s5 =	simm.s32 $0xFFFFFFFF;
	p2 =	slt.u32 s8, $0xFFFFF086  }
0x1c: {  	p1 =	slt.u32 s9, $0xF7A;
	s5 =	simm.s32 @!p2 $0x0  }
0x1d: {  	s5 =	simm.s32 @p1 $0x1;
	p0 =	seq.s32 s7, s2  }
0x1e: {  	s7 =	smul.u32 @!p0 $0xF7A, s2;
	p2 =	seq.s32 @!p0 s5, $0x0  }
0x1f: {  	s9 =	smul.u32 $0xF7A, s1;
	s8 =	simm.s32 @!p0 $0x1BF5;
	p2 =	por !p2, p0  }
0x20: {  	[sflag:s8] =	ssyncset.s32 @!p0 $0xFFFFF086;
	s6 =	sadd.s32 @!p0 s3, s7;
	s7 =	simm.s32 @!p0 $0x108  }
0x21: {  	s3 =	sadd.s32 s3, s9;
	s6 =	sadd.s32 @!p0 $0x88, s6;
	s7 =	simm.s32 @p2 $0x1082  }
0x22: {  	[simem:s7], [sflag:s8] =	dma.local @!p0 [hbm:s6], $0xF7A  }
0x23: {  	s9 =	sor.u32 $0xD0000000, s2;
	s6 =	simm.s32 $0x108;
	_ =	swait.ge @!p0 [sflag:s8], $0x0  }
0x24: {  	s3 =	sadd.s32 $0x88, s3;
	s6 =	simm.s32 @!p1 $0x1082;
	[sflag:s4] =	ssyncset.s32 $0xFFFFF086  }
0x25: {  	[simem:s6], [sflag:s4] =	dma.local [hbm:s3], $0xF7A  }
0x26: {  	[smem:$0x3F8F] =	sst s1;
	(tag) =	ssettag s2;
	_ =	strace s9  }
0x27: {  	s1 =	sld [smem:$0x3F9F]  }
0x28: {  	s2 =	sld [smem:$0x3FA0]  }
0x29: {  	s4 =	sld [smem:$0x3FA2]  }
0x2a: {  	p0 =	seq.s32 s5, $0x0;
	s5 =	sld [smem:$0x3FA3]  }
0x2b: {  	s6 =	sld [smem:$0x3FA4]  }
0x2c: {  	s7 =	sld [smem:$0x3FA5]  }
0x2d: {  	s3 =	simm.s32 $0x108;
	s8 =	sld [smem:$0x3FA6]  }
0x2e: {  	s3 =	simm.s32 @!p0 $0x1082;
	s9 =	sld [smem:$0x3FA7]  }
0x2f: {  	lr =	sadd.s32 s0, s3;
	s0 =	sld [smem:$0x3F9E]  }
0x30: {  	s3 =	sld [smem:$0x3FA1]  }
0x31: {  	[smem:$0x3FAA] =	sst s10  }
0x32: {  	s10 =	sld [smem:$0x3FA8];
	_ =	sdelay $0x3  }
0x33: {  	p0 =	seq.s32 s10, $0x1;
	s10 =	sld [smem:$0x3FAA];
	_ =	sdelay $0x3  }
0x34: {  	[smem:$0x3FAA] =	sst s10  }
0x35: {  	s10 =	sld [smem:$0x3FA9];
	_ =	sdelay $0x3  }
0x36: {  	p1 =	seq.s32 s10, $0x1;
	s10 =	sld [smem:$0x3FAA];
	_ =	sdelay $0x3  }
0x37: {  	[smem:$0x3FAA] =	sst s10  }
0x38: {  	s10 =	sld [smem:$0x3FAB]  }
0x39: {  	_ = 	snop;
	(pc) =	sbr.ind lr, $3  }
0x3a: {  	_ = 	snop  }
0x3b: {  	_ = 	snop  }
0x3c: {  	p2 =	seq.s32 s10, $0x1;
	s10 =	sld [smem:$0x3FAA]  }
0x3d: {  	_ =	shalt  }
0x3e: {  	_ =	shalt  }
0x3f: {  	_ =	shalt  }
0x40: {  	_ =	shalt  }
0x41: {  	_ =	shalt  }
0x42: {  	_ =	shalt  }
0x43: {  	_ =	shalt  }
0x44: {  	_ =	shalt  }
0x45: {  	_ =	shalt  }
0x46: {  	_ =	shalt  }
0x47: {  	_ =	shalt  }
0x48: {  	_ =	shalt  }
0x49: {  	_ =	shalt  }
0x4a: {  	_ =	shalt  }
0x4b: {  	_ =	shalt  }
0x4c: {  	_ =	shalt  }
0x4d: {  	_ =	shalt  }
0x4e: {  	_ =	shalt  }
0x4f: {  	_ =	shalt  }
0x50: {  	_ =	shalt  }
0x51: {  	_ =	shalt  }
0x52: {  	_ =	shalt  }
0x53: {  	_ =	shalt  }
0x54: {  	_ =	shalt  }
0x55: {  	_ =	shalt  }
0x56: {  	_ =	shalt  }
0x57: {  	_ =	shalt  }
0x58: {  	_ =	shalt  }
0x59: {  	_ =	shalt  }
0x5a: {  	_ =	shalt  }
0x5b: {  	_ =	shalt  }
0x5c: {  	_ =	shalt  }
0x5d: {  	_ =	shalt  }
0x5e: {  	_ =	shalt  }
0x5f: {  	_ =	shalt  }
0x60: {  	_ =	shalt  }
0x61: {  	_ =	shalt  }
0x62: {  	_ =	shalt  }
0x63: {  	_ =	shalt  }
0x64: {  	_ =	shalt  }
0x65: {  	_ =	shalt  }
0x66: {  	_ =	shalt  }
0x67: {  	_ =	shalt  }
0x68: {  	_ =	shalt  }
0x69: {  	_ =	shalt  }
0x6a: {  	_ =	shalt  }
0x6b: {  	_ =	shalt  }
0x6c: {  	_ =	shalt  }
0x6d: {  	_ =	shalt  }
0x6e: {  	_ =	shalt  }
0x6f: {  	_ =	shalt  }
0x70: {  	_ =	shalt  }
0x71: {  	_ =	shalt  }
0x72: {  	_ =	shalt  }
0x73: {  	_ =	shalt  }
0x74: {  	_ =	shalt  }
0x75: {  	_ =	shalt  }
0x76: {  	_ =	shalt  }
0x77: {  	_ =	shalt  }
0x78: {  	_ =	shalt  }
0x79: {  	_ =	shalt  }
0x7a: {  	_ =	shalt  }
0x7b: {  	_ =	shalt  }
0x7c: {  	_ =	shalt  }
0x7d: {  	_ =	shalt  }
0x7e: {  	_ =	shalt  }
0x7f: {  	_ =	shalt  }
0x80: {  	_ =	shalt  }
0x81: {  	_ =	shalt  }
0x82: {  	_ =	shalt  }
0x83: {  	_ =	shalt  }
0x84: {  	_ =	shalt  }
0x85: {  	_ =	shalt  }
0x86: {  	_ =	shalt  }
0x87: {  	_ =	shalt  }
.Lfunc_end0:
.L_simem_size_0:
called_computation_lowered:
.L_overlay_start_0:
0x88: {  	s2 =	sld [smem:$0x3FD9]  }
0x89: {  	s3 =	sld [smem:$0x3FFE];
	_ =	sdelay $0x1  }
0x8a: {  	s1 =	srdreg.scid  }
0x8b: {  	s0 =	sand.u32 $0x1, s1  }
0x8c: {  	s17 =	sshll.u32 s0, $0xA;
	s2 =	sadd.s32 s3, s2  }
0x8d: {  	s2 =	sadd.s32 s2, s17  }
0x8e: {  	[smem:$0x3FB6] =	sst s2  }
0x8f: {  	_ = 	snop  }
0x90: {  	s2 =	sld [smem:$0x3FD0];
	(tm) =	ssettm $0x1  }
0x91: {  	s18 =	sld [smem:$0x3FFB];
	_ =	sdelay $0x3  }
0x92: {  	_ =	strace s18  }
0x93: {  	s3 =	sld [smem:$0x3FFC];
	_ =	sdelay $0x3  }
0x94: {  	_ =	strace s3  }
0x95: {  	s3 =	sld [smem:$0x3FFD];
	_ =	sdelay $0x3  }
0x96: {  	_ =	strace s3  }
0x97: {  	_ =	strace $0x8FFFFFFF  }
0x98: {  	s19 =	sld [smem:$0x3FDB];
	_ =	sdelay $0x1  }
0x99: {  	s4 =	simm.s32 $_scs_section_size  }
0x9a: {  	s5 =	simm.s32 $_size__tile_overlayer_lowered;
	s6 =	simm.s32 $_tile_overlayer_lowered  }
0x9b: {  	s22 =	simm.s32 $0x1BFF;
	s21 =	sshll.u32 s6, $0x1;
	s3 =	sadd.s32 s4, s19  }
0x9c: {  	s7 =	simm.s32 $0x0;
	s20 =	sshll.u32 s5, $0x1;
	s5 =	sadd.s32 s21, s3  }
0x9d: {  	[timem:s7], [sflag:s22] =	dma.local [hbm:s5], s20  }
0x9e: {  	_ =	swait.ge [sflag:s22], s20  }
0x9f: {  	s4 =	ssub.s32 $0x0, s20;
	[sflag:s22] =	ssyncset.done $0x0  }
0xa0: {  	[sflag:s22] =	ssyncadd.s32 s4;
	_ =	sdelay $0x1  }
0xa1: {  	s23 =	simm.s32 $0x1B8B  }
0xa2: {  	_ =	swait.ge [sflag:s23], $0x1  }
0xa3: {  	[sflag:s23] =	ssyncset.done $0x0  }
0xa4: {  	s25 =	simm.s32 $0x1B8E;
	s24 =	sld [smem:$0x3FFE];
	[sflag:s23] =	ssyncadd.s32 $0xFFFFFFFF  }
0xa5: {  	s26 =	simm.s32 $execute0_lowered;
	[smem:$0x3FD2] =	sst s25  }
0xa6: {  	s5 =	sshll.u32 s26, $0x1;
	_ =	strace $0x80000046;
	[dreg:$0x1] =	wrdreg $0xFFFFFFFF  }
0xa7: {  	s28 =	simm.s32 $_size_execute0_lowered;
	s3 =	sadd.s32 s3, s5;
	[dreg:$0x0] =	wrdreg $0x0  }
0xa8: {  	s5 =	sshll.u32 s28, $0x1;
	[dreg:$0x2] =	wrdreg s3  }
0xa9: {  	[dreg:$0x3] =	wrdreg s5  }
0xaa: {  	[dreg:$0x4] =	wrdreg $0xC0  }
0xab: {  	_ =	task [dreg:s7], $0x5FFFF  }
0xac: {  	[dreg:$0x1] =	wrdreg $0xFFFFFFFF  }
0xad: {  	[dreg:$0x0] =	wrdreg $0x60  }
0xae: {  	[dreg:$0x2] =	wrdreg s24  }
0xaf: {  	[dreg:$0x3] =	wrdreg s2  }
0xb0: {  	[dreg:$0x4] =	wrdreg $0x9  }
0xb1: {  	_ =	task.clear_ibuf [dreg:s7], $0x5FFFF;
	_ =	strace $0x90000046  }
0xb2: {  	s29 =	simm.s32 $0x9;
	_ =	strace $0x80000048  }
0xb3: {  	_ =	swait.ge [sflag:s29], $0x1  }
0xb4: {  	[sflag:s29] =	ssyncadd.s32 $0xFFFFFFFF  }
0xb5: {  	_ =	strace $0x90000048  }
0xb6: {  	_ =	sfence  }
0xb7: {  	s30 =	sld [smem:$0x0];
	_ =	sdelay $0x2  }
0xb8: {  	s31 =	sshll.u32 s1, $0xD;
	s1 =	sshrl.u32 s1, $0x2  }
0xb9: {  	s3 =	sand.u32 $0x4000, s31;
	s1 =	sadd.s32 s1, s30  }
0xba: {  	s0 =	sor.u32 s3, s0;
	s1 =	sshll.u32 s1, $0x11  }
0xbb: {  	s0 =	sor.u32 s1, s0  }
0xbc: {  	s0 =	sadd.s32 $0x8F2B, s0  }
0xbd: {  	[sflag:s0] =	ssyncadd.remote.s32 $0x1  }
0xbe: {  	_ =	sfence.sel $0xFFFF  }
0xbf: {  	[dreg:$0x0] =	wrdreg $0xFFFFFFFF;
	(pc) =	sbr.abs _section_cstart, $3  }
0xc0: {  	[dreg:$0x1] =	wrdreg $0xFFFFFFFF  }
0xc1: {  	_ =	task.clear_ibuf [dreg:s7], $0x2FFFF;
	_ =	strace $0x9FFFFFFF  }
0xc2: {  	(tm) =	ssettm $0x7FFFFFFF  }
0xc3: {  	_ =	shalt  }
tec
execute0_lowered:
.L_overlay_start_1:
0x0: {  	(tag) =	ssettag $0x1  }
0x1: {  	s1 =	srdreg.scid;
	s3 =	rddreg [dreg:$0x0]  }
0x2: {  	s0 =	stileid.u32;
	s5 =	rddreg [dreg:$0x1];
	s20 =	simm.s32 $0x1800  }
0x3: {  	s21 =	simm.s32 $0x100;
	s23 =	simm.s32 $0x2800;
	s24 =	simm.s32 $0x180  }
0x4: {  	s25 =	simm.s32 $0x3800;
	s26 =	simm.s32 $0x200;
	s7 =	simm.s32 $0x80  }
0x5: {  	s11 =	simm.s32 $0x300;
	s12 =	simm.s32 $0x6800;
	s13 =	simm.s32 $0x380  }
0x6: {  	s14 =	simm.s32 $0x7800;
	s15 =	simm.s32 $0x400;
	s16 =	simm.s32 $0x8800  }
0x7: {  	s17 =	simm.s32 $0x480;
	s18 =	simm.s32 $0x9800;
	p0 =	por $0x0, $0x0  }
0x8: {  	s28 =	simm.s32 $0x700;
	s1 =	sand.u32 $0x1, s1;
	s2 =	sshll.u32 s0, $0x1  }
0x9: {  	s29 =	simm.s32 $0xE800;
	s4 =	sor.u32 s1, s2;
	s2 =	simm.s32 $0x0  }
0xa: {  	s30 =	simm.s32 $0x780;
	s31 =	simm.s32 $0xF800;
	[smem:$0x7FF] =	sst s2  }
0xb: {  	s1 =	ssub.s32 $0x2, s1;
	_ =	strace $0x80000047;
	[dreg:$0x5] =	wrdreg s20  }
0xc: {  	s6 =	sshll.u32 s4, $0x8;
	s4 =	sshll.u32 s4, $0xD;
	[dreg:$0x6] =	wrdreg s21  }
0xd: {  	s22 =	sshrl.u32 s1, $0x1;
	s6 =	sadd.s32 s6, s3;
	[dreg:$0x7] =	wrdreg s23  }
0xe: {  	s3 =	sadd.s32 s4, s3;
	s1 =	ssub.s32 s1, s22;
	[dreg:$0x8] =	wrdreg s24  }
0xf: {  	[dreg:$0x9] =	wrdreg s25;
	s4 =	simm.s32 $0x800;
	s1 =	smax.u32 s1, $0x1  }
0x10: {  	[dreg:$0xa] =	wrdreg s26;
	s20 =	simm.s32 $0xA800;
	p1 =	sne.s32 s1, $0x1  }
.Ltmp0:
0x11: {  	s21 =	simm.s32 $0x580;
	s22 =	simm.s32 $0xB800;
	(pc) =	sbr.rel @!p1 .LBB2_3-.Ltmp0, $4  }
0x12: {  	s23 =	simm.s32 $0x600;
	s24 =	simm.s32 $0xC800;
	s19 =	sadd.s32 $0x2600, s6  }
0x13: {  	s25 =	simm.s32 $0x680;
	s3 =	sadd.s32 $0x4600, s3;
	[dreg:$0x3] =	wrdreg s19  }
0x14: {  	s26 =	simm.s32 $0xD800;
	s6 =	simm.s32 $0x1;
	[dreg:$0x4] =	wrdreg s3  }
0x15: {  	s3 =	simm.s32 $0x2;
	s19 =	simm.s32 $0x500;
	s8 =	sadd.s32 $0xFFFFFFFF, s1  }
0x16: {  	s0 =	rddreg [dreg:$0x3]  }
0x17: {  	[tilespmem:s2], [sflag:$0x2] =	stream.linear.gather [hbm4b:s0+s2], $0x800, $0x38;
	[tilespmem:$0x10800] =	vst v63  }
0x18: {  	_ =	swait.ge [sflag:s3], $0x800  }
0x19: {  	s10 =	rddreg [dreg:$0x6]  }
0x1a: {  	s1 =	rddreg [dreg:$0x5]  }
0x1b: {  	s0 =	rddreg [dreg:$0x7]  }
0x1c: {  	[sflag:s3] =	ssyncset.done $0x0;
	[dreg:$0xb] =	wrdreg s10  }
0x1d: {  	[sflag:s3] =	ssyncadd.s32 $0xFFFFF800;
	s10 =	rddreg [dreg:$0x9]  }
0x1e: {  	[tilespmem:s4], [sflag:$0x1] =	stream.indirect.gather [hbm4b:s5+s7], $0x20, s2, s7, $0xb8;
	[tilespmem:$0x10800] =	vst v63  }
0x1f: {  	[dreg:$0xc] =	wrdreg s10  }
0x20: {  	s10 =	rddreg [dreg:$0xb]  }
0x21: {  	[tilespmem:s1], [sflag:$0x1] =	stream.indirect.gather [hbm4b:s5+s7], $0x20, s7, s7, $0xb8;
	[tilespmem:$0x10800] =	vst v63  }
0x22: {  	s1 =	rddreg [dreg:$0x8]  }
0x23: {  	[tilespmem:s0], [sflag:$0x1] =	stream.indirect.gather [hbm4b:s5+s7], $0x20, s10, s7, $0xb8;
	[tilespmem:$0x10800] =	vst v63  }
0x24: {  	s10 =	rddreg [dreg:$0xc]  }
0x25: {  	[tilespmem:s10], [sflag:$0x1] =	stream.indirect.gather [hbm4b:s5+s7], $0x20, s1, s7, $0xb8;
	[tilespmem:$0x10800] =	vst v63  }
0x26: {  	s9 =	simm.s32 $0x4800;
	s0 =	rddreg [dreg:$0xa]  }
0x27: {  	[tilespmem:s9], [sflag:$0x1] =	stream.indirect.gather [hbm4b:s5+s7], $0x20, s0, s7, $0xb8;
	[tilespmem:$0x10800] =	vst v63  }
0x28: {  	s1 =	simm.s32 $0x280;
	s9 =	simm.s32 $0x5800  }
0x29: {  	[tilespmem:s9], [sflag:$0x1] =	stream.indirect.gather [hbm4b:s5+s7], $0x20, s1, s7, $0xb8;
	[tilespmem:$0x10800] =	vst v63  }
0x2a: {  	_ = 	snop  }
0x2b: {  	[tilespmem:s12], [sflag:$0x1] =	stream.indirect.gather [hbm4b:s5+s7], $0x20, s11, s7, $0xb8;
	[tilespmem:$0x10800] =	vst v63  }
0x2c: {  	_ = 	snop  }
0x2d: {  	[tilespmem:s14], [sflag:$0x1] =	stream.indirect.gather [hbm4b:s5+s7], $0x20, s13, s7, $0xb8;
	[tilespmem:$0x10800] =	vst v63  }
0x2e: {  	_ = 	snop  }
0x2f: {  	[tilespmem:s16], [sflag:$0x1] =	stream.indirect.gather [hbm4b:s5+s7], $0x20, s15, s7, $0xb8;
	[tilespmem:$0x10800] =	vst v63  }
0x30: {  	_ = 	snop  }
0x31: {  	[tilespmem:s18], [sflag:$0x1] =	stream.indirect.gather [hbm4b:s5+s7], $0x20, s17, s7, $0xb8;
	[tilespmem:$0x10800] =	vst v63  }
0x32: {  	_ = 	snop  }
0x33: {  	[tilespmem:s20], [sflag:$0x1] =	stream.indirect.gather [hbm4b:s5+s7], $0x20, s19, s7, $0xb8;
	[tilespmem:$0x10800] =	vst v63  }
0x34: {  	_ = 	snop  }
0x35: {  	[tilespmem:s22], [sflag:$0x1] =	stream.indirect.gather [hbm4b:s5+s7], $0x20, s21, s7, $0xb8;
	[tilespmem:$0x10800] =	vst v63  }
0x36: {  	_ = 	snop  }
0x37: {  	[tilespmem:s24], [sflag:$0x1] =	stream.indirect.gather [hbm4b:s5+s7], $0x20, s23, s7, $0xb8;
	[tilespmem:$0x10800] =	vst v63  }
0x38: {  	_ = 	snop  }
0x39: {  	[tilespmem:s26], [sflag:$0x1] =	stream.indirect.gather [hbm4b:s5+s7], $0x20, s25, s7, $0xb8;
	[tilespmem:$0x10800] =	vst v63  }
0x3a: {  	_ = 	snop  }
0x3b: {  	[tilespmem:s29], [sflag:$0x1] =	stream.indirect.gather [hbm4b:s5+s7], $0x20, s28, s7, $0xb8;
	[tilespmem:$0x10800] =	vst v63  }
0x3c: {  	_ = 	snop  }
0x3d: {  	[tilespmem:s31], [sflag:$0x1] =	stream.indirect.gather [hbm4b:s5+s7], $0x20, s30, s7, $0xb8;
	[tilespmem:$0x10800] =	vst v63  }
0x3e: {  	_ =	swait.ge [sflag:s6], $0x1000  }
0x3f: {  	[sflag:s6] =	ssyncset.done $0x0  }
0x40: {  	[sflag:s6] =	ssyncadd.s32 $0xFFFFF000  }
0x41: {  	_ =	swait.ge [sflag:s6], $0x1000  }
0x42: {  	[sflag:s6] =	ssyncset.done $0x0  }
0x43: {  	[sflag:s6] =	ssyncadd.s32 $0xFFFFF000  }
0x44: {  	_ =	swait.ge [sflag:s6], $0x1000  }
0x45: {  	[sflag:s6] =	ssyncset.done $0x0  }
0x46: {  	[sflag:s6] =	ssyncadd.s32 $0xFFFFF000  }
0x47: {  	_ =	swait.ge [sflag:s6], $0x1000  }
0x48: {  	[sflag:s6] =	ssyncset.done $0x0  }
0x49: {  	[sflag:s6] =	ssyncadd.s32 $0xFFFFF000  }
0x4a: {  	_ =	swait.ge [sflag:s6], $0x1000  }
0x4b: {  	[sflag:s6] =	ssyncset.done $0x0  }
0x4c: {  	[sflag:s6] =	ssyncadd.s32 $0xFFFFF000  }
0x4d: {  	_ =	swait.ge [sflag:s6], $0x1000  }
0x4e: {  	[sflag:s6] =	ssyncset.done $0x0  }
0x4f: {  	[sflag:s6] =	ssyncadd.s32 $0xFFFFF000  }
0x50: {  	_ =	swait.ge [sflag:s6], $0x1000  }
0x51: {  	[sflag:s6] =	ssyncset.done $0x0  }
0x52: {  	[sflag:s6] =	ssyncadd.s32 $0xFFFFF000  }
0x53: {  	_ =	swait.ge [sflag:s6], $0x1000  }
0x54: {  	[sflag:s6] =	ssyncset.done $0x0  }
0x55: {  	[sflag:s6] =	ssyncadd.s32 $0xFFFFF000  }
0x56: {  	_ =	swait.ge [sflag:s6], $0x1000  }
0x57: {  	[sflag:s6] =	ssyncset.done $0x0  }
0x58: {  	[sflag:s6] =	ssyncadd.s32 $0xFFFFF000  }
0x59: {  	_ =	swait.ge [sflag:s6], $0x1000  }
0x5a: {  	[sflag:s6] =	ssyncset.done $0x0  }
0x5b: {  	[sflag:s6] =	ssyncadd.s32 $0xFFFFF000  }
0x5c: {  	_ =	swait.ge [sflag:s6], $0x1000  }
0x5d: {  	[sflag:s6] =	ssyncset.done $0x0  }
0x5e: {  	[sflag:s6] =	ssyncadd.s32 $0xFFFFF000  }
0x5f: {  	_ =	swait.ge [sflag:s6], $0x1000  }
0x60: {  	[sflag:s6] =	ssyncset.done $0x0  }
0x61: {  	[sflag:s6] =	ssyncadd.s32 $0xFFFFF000  }
0x62: {  	_ =	swait.ge [sflag:s6], $0x1000  }
0x63: {  	[sflag:s6] =	ssyncset.done $0x0  }
0x64: {  	[sflag:s6] =	ssyncadd.s32 $0xFFFFF000  }
0x65: {  	_ =	swait.ge [sflag:s6], $0x1000  }
0x66: {  	[sflag:s6] =	ssyncset.done $0x0  }
0x67: {  	[sflag:s6] =	ssyncadd.s32 $0xFFFFF000  }
0x68: {  	_ =	swait.ge [sflag:s6], $0x1000  }
0x69: {  	p1 =	sne.s32 s8, $0x1;
	[sflag:s6] =	ssyncset.done $0x0  }
.Ltmp1:
0x6a: {  	[sflag:s6] =	ssyncadd.s32 $0xFFFFF000;
	(pc) =	sbr.rel @!p1 .LBB2_3-.Ltmp1, $4  }
0x6b: {  	_ =	swait.ge [sflag:s6], $0x1000  }
0x6c: {  	p0 =	por $0x1, $0x1;
	[sflag:s6] =	ssyncset.done $0x0  }
0x6d: {  	s1 =	sadd.s32 $0xFFFFFFFF, s8;
	s10 =	rddreg [dreg:$0x4];
	[sflag:s6] =	ssyncadd.s32 $0xFFFFF000  }
0x6e: {  	[hbm4b:s10+s2] =	stream.linear.scatter [tilespmem:s4], [sflag:$0x2], $0x10000, $0x38;
	[tilespmem:$0x10800] =	vst v63  }
.LBB2_2:
0x6f: {  	_ =	swait.ge [sflag:s3], $0x10000  }
0x70: {  	[sflag:s3] =	ssyncset.done $0x0  }
0x71: {  	s0 =	rddreg [dreg:$0x3];
	[sflag:s3] =	ssyncadd.s32 $0xFFFF0000  }
0x72: {  	[tilespmem:s2], [sflag:$0x2] =	stream.linear.gather [hbm4b:s0+s2], $0x800, $0x38;
	[tilespmem:$0x10800] =	vst v63  }
0x73: {  	_ =	swait.ge [sflag:s3], $0x800  }
0x74: {  	s0 =	rddreg [dreg:$0x6];
	[sflag:s3] =	ssyncset.done $0x0  }
0x75: {  	s8 =	rddreg [dreg:$0x5];
	[sflag:s3] =	ssyncadd.s32 $0xFFFFF800  }
0x76: {  	[tilespmem:s4], [sflag:$0x1] =	stream.indirect.gather [hbm4b:s5+s7], $0x20, s2, s7, $0xb8;
	[tilespmem:$0x10800] =	vst v63  }
0x77: {  	s9 =	rddreg [dreg:$0x7]  }
0x78: {  	[tilespmem:s8], [sflag:$0x1] =	stream.indirect.gather [hbm4b:s5+s7], $0x20, s7, s7, $0xb8;
	[tilespmem:$0x10800] =	vst v63  }
0x79: {  	s10 =	rddreg [dreg:$0x9]  }
0x7a: {  	[tilespmem:s9], [sflag:$0x1] =	stream.indirect.gather [hbm4b:s5+s7], $0x20, s0, s7, $0xb8;
	[tilespmem:$0x10800] =	vst v63  }
0x7b: {  	s8 =	rddreg [dreg:$0x8]  }
0x7c: {  	[tilespmem:s10], [sflag:$0x1] =	stream.indirect.gather [hbm4b:s5+s7], $0x20, s8, s7, $0xb8;
	[tilespmem:$0x10800] =	vst v63  }
0x7d: {  	s0 =	rddreg [dreg:$0xa];
	s8 =	simm.s32 $0x4800  }
0x7e: {  	[tilespmem:s8], [sflag:$0x1] =	stream.indirect.gather [hbm4b:s5+s7], $0x20, s0, s7, $0xb8;
	[tilespmem:$0x10800] =	vst v63  }
0x7f: {  	s9 =	simm.s32 $0x280;
	s10 =	simm.s32 $0x5800  }
0x80: {  	[tilespmem:s10], [sflag:$0x1] =	stream.indirect.gather [hbm4b:s5+s7], $0x20, s9, s7, $0xb8;
	[tilespmem:$0x10800] =	vst v63  }
0x81: {  	_ = 	snop  }
0x82: {  	[tilespmem:s12], [sflag:$0x1] =	stream.indirect.gather [hbm4b:s5+s7], $0x20, s11, s7, $0xb8;
	[tilespmem:$0x10800] =	vst v63  }
0x83: {  	_ = 	snop  }
0x84: {  	[tilespmem:s14], [sflag:$0x1] =	stream.indirect.gather [hbm4b:s5+s7], $0x20, s13, s7, $0xb8;
	[tilespmem:$0x10800] =	vst v63  }
0x85: {  	_ = 	snop  }
0x86: {  	[tilespmem:s16], [sflag:$0x1] =	stream.indirect.gather [hbm4b:s5+s7], $0x20, s15, s7, $0xb8;
	[tilespmem:$0x10800] =	vst v63  }
0x87: {  	_ = 	snop  }
0x88: {  	[tilespmem:s18], [sflag:$0x1] =	stream.indirect.gather [hbm4b:s5+s7], $0x20, s17, s7, $0xb8;
	[tilespmem:$0x10800] =	vst v63  }
0x89: {  	_ = 	snop  }
0x8a: {  	[tilespmem:s20], [sflag:$0x1] =	stream.indirect.gather [hbm4b:s5+s7], $0x20, s19, s7, $0xb8;
	[tilespmem:$0x10800] =	vst v63  }
0x8b: {  	_ = 	snop  }
0x8c: {  	[tilespmem:s22], [sflag:$0x1] =	stream.indirect.gather [hbm4b:s5+s7], $0x20, s21, s7, $0xb8;
	[tilespmem:$0x10800] =	vst v63  }
0x8d: {  	_ = 	snop  }
0x8e: {  	[tilespmem:s24], [sflag:$0x1] =	stream.indirect.gather [hbm4b:s5+s7], $0x20, s23, s7, $0xb8;
	[tilespmem:$0x10800] =	vst v63  }
0x8f: {  	_ = 	snop  }
0x90: {  	[tilespmem:s26], [sflag:$0x1] =	stream.indirect.gather [hbm4b:s5+s7], $0x20, s25, s7, $0xb8;
	[tilespmem:$0x10800] =	vst v63  }
0x91: {  	_ = 	snop  }
0x92: {  	[tilespmem:s29], [sflag:$0x1] =	stream.indirect.gather [hbm4b:s5+s7], $0x20, s28, s7, $0xb8;
	[tilespmem:$0x10800] =	vst v63  }
0x93: {  	_ = 	snop  }
0x94: {  	[tilespmem:s31], [sflag:$0x1] =	stream.indirect.gather [hbm4b:s5+s7], $0x20, s30, s7, $0xb8;
	[tilespmem:$0x10800] =	vst v63  }
0x95: {  	_ =	swait.ge [sflag:s6], $0x1000  }
0x96: {  	[sflag:s6] =	ssyncset.done $0x0  }
0x97: {  	[sflag:s6] =	ssyncadd.s32 $0xFFFFF000  }
0x98: {  	_ =	swait.ge [sflag:s6], $0x1000  }
0x99: {  	[sflag:s6] =	ssyncset.done $0x0  }
0x9a: {  	[sflag:s6] =	ssyncadd.s32 $0xFFFFF000  }
0x9b: {  	_ =	swait.ge [sflag:s6], $0x1000  }
0x9c: {  	[sflag:s6] =	ssyncset.done $0x0  }
0x9d: {  	[sflag:s6] =	ssyncadd.s32 $0xFFFFF000  }
0x9e: {  	_ =	swait.ge [sflag:s6], $0x1000  }
0x9f: {  	[sflag:s6] =	ssyncset.done $0x0  }
0xa0: {  	[sflag:s6] =	ssyncadd.s32 $0xFFFFF000  }
0xa1: {  	_ =	swait.ge [sflag:s6], $0x1000  }
0xa2: {  	[sflag:s6] =	ssyncset.done $0x0  }
0xa3: {  	[sflag:s6] =	ssyncadd.s32 $0xFFFFF000  }
0xa4: {  	_ =	swait.ge [sflag:s6], $0x1000  }
0xa5: {  	[sflag:s6] =	ssyncset.done $0x0  }
0xa6: {  	[sflag:s6] =	ssyncadd.s32 $0xFFFFF000  }
0xa7: {  	_ =	swait.ge [sflag:s6], $0x1000  }
0xa8: {  	[sflag:s6] =	ssyncset.done $0x0  }
0xa9: {  	[sflag:s6] =	ssyncadd.s32 $0xFFFFF000  }
0xaa: {  	_ =	swait.ge [sflag:s6], $0x1000  }
0xab: {  	[sflag:s6] =	ssyncset.done $0x0  }
0xac: {  	[sflag:s6] =	ssyncadd.s32 $0xFFFFF000  }
0xad: {  	_ =	swait.ge [sflag:s6], $0x1000  }
0xae: {  	[sflag:s6] =	ssyncset.done $0x0  }
0xaf: {  	[sflag:s6] =	ssyncadd.s32 $0xFFFFF000  }
0xb0: {  	_ =	swait.ge [sflag:s6], $0x1000  }
0xb1: {  	[sflag:s6] =	ssyncset.done $0x0  }
0xb2: {  	[sflag:s6] =	ssyncadd.s32 $0xFFFFF000  }
0xb3: {  	_ =	swait.ge [sflag:s6], $0x1000  }
0xb4: {  	[sflag:s6] =	ssyncset.done $0x0  }
0xb5: {  	[sflag:s6] =	ssyncadd.s32 $0xFFFFF000  }
0xb6: {  	_ =	swait.ge [sflag:s6], $0x1000  }
0xb7: {  	[sflag:s6] =	ssyncset.done $0x0  }
0xb8: {  	[sflag:s6] =	ssyncadd.s32 $0xFFFFF000  }
0xb9: {  	_ =	swait.ge [sflag:s6], $0x1000  }
0xba: {  	[sflag:s6] =	ssyncset.done $0x0  }
0xbb: {  	[sflag:s6] =	ssyncadd.s32 $0xFFFFF000  }
0xbc: {  	_ =	swait.ge [sflag:s6], $0x1000  }
0xbd: {  	[sflag:s6] =	ssyncset.done $0x0  }
0xbe: {  	[sflag:s6] =	ssyncadd.s32 $0xFFFFF000  }
0xbf: {  	_ =	swait.ge [sflag:s6], $0x1000  }
0xc0: {  	p1 =	sne.s32 s1, $0x1;
	[sflag:s6] =	ssyncset.done $0x0  }
.Ltmp2:
0xc1: {  	[sflag:s6] =	ssyncadd.s32 $0xFFFFF000;
	(pc) =	sbr.rel @p1 .LBB2_2-.Ltmp2, $4  }
0xc2: {  	_ =	swait.ge [sflag:s6], $0x1000  }
0xc3: {  	[sflag:s6] =	ssyncset.done $0x0  }
0xc4: {  	s1 =	sadd.s32 $0xFFFFFFFF, s1;
	s10 =	rddreg [dreg:$0x4];
	[sflag:s6] =	ssyncadd.s32 $0xFFFFF000  }
0xc5: {  	[hbm4b:s10+s2] =	stream.linear.scatter [tilespmem:s4], [sflag:$0x2], $0x10000, $0x38;
	[tilespmem:$0x10800] =	vst v63  }
.LBB2_3:
0xc6: {  	_ =	swait.ge @p0 [sflag:s3], $0x10000  }
0xc7: {  	[sflag:s3] =	ssyncset.done @p0 $0x0  }
0xc8: {  	s0 =	rddreg [dreg:$0x3];
	[sflag:s3] =	ssyncadd.s32 @p0 $0xFFFF0000  }
0xc9: {  	[tilespmem:s2], [sflag:$0x2] =	stream.linear.gather [hbm4b:s0+s2], $0x800, $0x38;
	[tilespmem:$0x10800] =	vst v63  }
0xca: {  	_ =	swait.ge [sflag:s3], $0x800  }
0xcb: {  	[sflag:s3] =	ssyncset.done $0x0;
	s10 =	rddreg [dreg:$0x5]  }
0xcc: {  	s0 =	rddreg [dreg:$0x6];
	[sflag:s3] =	ssyncadd.s32 $0xFFFFF800  }
0xcd: {  	[tilespmem:s4], [sflag:$0x1] =	stream.indirect.gather [hbm4b:s5+s7], $0x20, s2, s7, $0xb8;
	[tilespmem:$0x10800] =	vst v63  }
0xce: {  	s1 =	rddreg [dreg:$0x7]  }
0xcf: {  	[tilespmem:s10], [sflag:$0x1] =	stream.indirect.gather [hbm4b:s5+s7], $0x20, s7, s7, $0xb8;
	[tilespmem:$0x10800] =	vst v63  }
0xd0: {  	s8 =	rddreg [dreg:$0x9]  }
0xd1: {  	[tilespmem:s1], [sflag:$0x1] =	stream.indirect.gather [hbm4b:s5+s7], $0x20, s0, s7, $0xb8;
	[tilespmem:$0x10800] =	vst v63  }
0xd2: {  	s9 =	rddreg [dreg:$0x8]  }
0xd3: {  	[tilespmem:s8], [sflag:$0x1] =	stream.indirect.gather [hbm4b:s5+s7], $0x20, s9, s7, $0xb8;
	[tilespmem:$0x10800] =	vst v63  }
0xd4: {  	s10 =	simm.s32 $0x4800;
	s1 =	rddreg [dreg:$0xa]  }
0xd5: {  	[tilespmem:s10], [sflag:$0x1] =	stream.indirect.gather [hbm4b:s5+s7], $0x20, s1, s7, $0xb8;
	[tilespmem:$0x10800] =	vst v63  }
0xd6: {  	s9 =	simm.s32 $0x5800;
	s10 =	simm.s32 $0x280  }
0xd7: {  	[tilespmem:s9], [sflag:$0x1] =	stream.indirect.gather [hbm4b:s5+s7], $0x20, s10, s7, $0xb8;
	[tilespmem:$0x10800] =	vst v63  }
0xd8: {  	_ = 	snop  }
0xd9: {  	[tilespmem:s12], [sflag:$0x1] =	stream.indirect.gather [hbm4b:s5+s7], $0x20, s11, s7, $0xb8;
	[tilespmem:$0x10800] =	vst v63  }
0xda: {  	_ = 	snop  }
0xdb: {  	[tilespmem:s14], [sflag:$0x1] =	stream.indirect.gather [hbm4b:s5+s7], $0x20, s13, s7, $0xb8;
	[tilespmem:$0x10800] =	vst v63  }
0xdc: {  	_ = 	snop  }
0xdd: {  	[tilespmem:s16], [sflag:$0x1] =	stream.indirect.gather [hbm4b:s5+s7], $0x20, s15, s7, $0xb8;
	[tilespmem:$0x10800] =	vst v63  }
0xde: {  	_ = 	snop  }
0xdf: {  	[tilespmem:s18], [sflag:$0x1] =	stream.indirect.gather [hbm4b:s5+s7], $0x20, s17, s7, $0xb8;
	[tilespmem:$0x10800] =	vst v63  }
0xe0: {  	_ = 	snop  }
0xe1: {  	[tilespmem:s20], [sflag:$0x1] =	stream.indirect.gather [hbm4b:s5+s7], $0x20, s19, s7, $0xb8;
	[tilespmem:$0x10800] =	vst v63  }
0xe2: {  	_ = 	snop  }
0xe3: {  	[tilespmem:s22], [sflag:$0x1] =	stream.indirect.gather [hbm4b:s5+s7], $0x20, s21, s7, $0xb8;
	[tilespmem:$0x10800] =	vst v63  }
0xe4: {  	_ = 	snop  }
0xe5: {  	[tilespmem:s24], [sflag:$0x1] =	stream.indirect.gather [hbm4b:s5+s7], $0x20, s23, s7, $0xb8;
	[tilespmem:$0x10800] =	vst v63  }
0xe6: {  	_ = 	snop  }
0xe7: {  	[tilespmem:s26], [sflag:$0x1] =	stream.indirect.gather [hbm4b:s5+s7], $0x20, s25, s7, $0xb8;
	[tilespmem:$0x10800] =	vst v63  }
0xe8: {  	_ = 	snop  }
0xe9: {  	[tilespmem:s29], [sflag:$0x1] =	stream.indirect.gather [hbm4b:s5+s7], $0x20, s28, s7, $0xb8;
	[tilespmem:$0x10800] =	vst v63  }
0xea: {  	_ = 	snop  }
0xeb: {  	[tilespmem:s31], [sflag:$0x1] =	stream.indirect.gather [hbm4b:s5+s7], $0x20, s30, s7, $0xb8;
	[tilespmem:$0x10800] =	vst v63  }
0xec: {  	_ =	swait.ge [sflag:s6], $0x1000  }
0xed: {  	[sflag:s6] =	ssyncset.done $0x0  }
0xee: {  	[sflag:s6] =	ssyncadd.s32 $0xFFFFF000  }
0xef: {  	_ =	swait.ge [sflag:s6], $0x1000  }
0xf0: {  	[sflag:s6] =	ssyncset.done $0x0  }
0xf1: {  	[sflag:s6] =	ssyncadd.s32 $0xFFFFF000  }
0xf2: {  	_ =	swait.ge [sflag:s6], $0x1000  }
0xf3: {  	[sflag:s6] =	ssyncset.done $0x0  }
0xf4: {  	[sflag:s6] =	ssyncadd.s32 $0xFFFFF000  }
0xf5: {  	_ =	swait.ge [sflag:s6], $0x1000  }
0xf6: {  	[sflag:s6] =	ssyncset.done $0x0  }
0xf7: {  	[sflag:s6] =	ssyncadd.s32 $0xFFFFF000  }
0xf8: {  	_ =	swait.ge [sflag:s6], $0x1000  }
0xf9: {  	[sflag:s6] =	ssyncset.done $0x0  }
0xfa: {  	[sflag:s6] =	ssyncadd.s32 $0xFFFFF000  }
0xfb: {  	_ =	swait.ge [sflag:s6], $0x1000  }
0xfc: {  	[sflag:s6] =	ssyncset.done $0x0  }
0xfd: {  	[sflag:s6] =	ssyncadd.s32 $0xFFFFF000  }
0xfe: {  	_ =	swait.ge [sflag:s6], $0x1000  }
0xff: {  	[sflag:s6] =	ssyncset.done $0x0  }
0x100: {  	[sflag:s6] =	ssyncadd.s32 $0xFFFFF000  }
0x101: {  	_ =	swait.ge [sflag:s6], $0x1000  }
0x102: {  	[sflag:s6] =	ssyncset.done $0x0  }
0x103: {  	[sflag:s6] =	ssyncadd.s32 $0xFFFFF000  }
0x104: {  	_ =	swait.ge [sflag:s6], $0x1000  }
0x105: {  	[sflag:s6] =	ssyncset.done $0x0  }
0x106: {  	[sflag:s6] =	ssyncadd.s32 $0xFFFFF000  }
0x107: {  	_ =	swait.ge [sflag:s6], $0x1000  }
0x108: {  	[sflag:s6] =	ssyncset.done $0x0  }
0x109: {  	[sflag:s6] =	ssyncadd.s32 $0xFFFFF000  }
0x10a: {  	_ =	swait.ge [sflag:s6], $0x1000  }
0x10b: {  	[sflag:s6] =	ssyncset.done $0x0  }
0x10c: {  	[sflag:s6] =	ssyncadd.s32 $0xFFFFF000  }
0x10d: {  	_ =	swait.ge [sflag:s6], $0x1000  }
0x10e: {  	[sflag:s6] =	ssyncset.done $0x0  }
0x10f: {  	[sflag:s6] =	ssyncadd.s32 $0xFFFFF000  }
0x110: {  	_ =	swait.ge [sflag:s6], $0x1000  }
0x111: {  	[sflag:s6] =	ssyncset.done $0x0  }
0x112: {  	[sflag:s6] =	ssyncadd.s32 $0xFFFFF000  }
0x113: {  	_ =	swait.ge [sflag:s6], $0x1000  }
0x114: {  	[sflag:s6] =	ssyncset.done $0x0  }
0x115: {  	[sflag:s6] =	ssyncadd.s32 $0xFFFFF000  }
0x116: {  	_ =	swait.ge [sflag:s6], $0x1000  }
0x117: {  	[sflag:s6] =	ssyncset.done $0x0  }
0x118: {  	[sflag:s6] =	ssyncadd.s32 $0xFFFFF000  }
0x119: {  	_ =	swait.ge [sflag:s6], $0x1000  }
0x11a: {  	[sflag:s6] =	ssyncset.done $0x0  }
0x11b: {  	s30 =	rddreg [dreg:$0x4];
	[sflag:s6] =	ssyncadd.s32 $0xFFFFF000  }
0x11c: {  	[hbm4b:s30+s2] =	stream.linear.scatter [tilespmem:s4], [sflag:$0x2], $0x10000, $0x38;
	[tilespmem:$0x10800] =	vst v63  }
0x11d: {  	_ =	swait.ge [sflag:s3], $0x10000  }
0x11e: {  	[sflag:s3] =	ssyncset.done $0x0  }
0x11f: {  	[sflag:s3] =	ssyncadd.s32 $0xFFFF0000  }
0x120: {  	_ =	sfence.sel $0x180000  }
0x121: {  	[bflag:$0x0] =	sbarrier.arrive $0xFFFF  }
0x122: {  	_ =	strace $0x90000047  }
0x123: {  	s31 =	stileid.u32;
	[bflag:$0x2] =	sbarrier.arrive $0xFFFF  }
0x124: {  	p0 =	sne.s32 s31, $0x0;
	s0 =	rddreg [dreg:$0x2]  }
0x125: {  	s0 =	sadd.s32 @!p0 $0x100000, s0  }
0x126: {  	[sflag:s0] =	ssyncadd.tile.s32 @!p0 $0x1;
	_ =	shalt  }
.Lfunc_end2:
_tile_overlayer_lowered:
.L_overlay_start_2:
0x127: {  	(tag) =	ssettag $0x2  }
0x128: {  	s0 =	rddreg [dreg:$0x0];
	s2 =	stileid.u32  }
0x129: {  	s1 =	rddreg [dreg:$0x1];
	p0 =	sne.s32 s2, $0x0  }
0x12a: {  	s3 =	rddreg [dreg:$0x2];
	[bflag:$0x3] =	sbarrier.arrive $0xFFFF;
	s2 =	simm.s32 @!p0 $0x1C02  }
0x12b: {  	[timem:s3], [sflag:s2] =	dma.local @!p0 [hbm:s0], s1  }
0x12c: {  	s0 =	simm.s32 @!p0 $0x2  }
0x12d: {  	_ =	swait.ge @!p0 [sflag:s0], s1  }
0x12e: {  	s1 =	ssub.s32 @!p0 $0x0, s1;
	[sflag:s0] =	ssyncset.done @!p0 $0x0  }
0x12f: {  	[sflag:s0] =	ssyncadd.s32 @!p0 s1  }
0x130: {  	[bflag:$0x3] =	sbarrier.arrive $0xFFFF  }
0x131: {  	_ =	shalt  }

</sc_bundles>
